<compile_context>
chip_gen: v7x
topology: tpu7x:2x2x1
jax: 0.10.2.dev20260603
libtpu: 0.0.44.dev20260713+nightly
codegen_flags: <defaults>
</compile_context>

<pallas_src>
import functools

import jax
import jax.numpy as jnp
from jax import lax
from jax.experimental import pallas as pl
from jax.experimental.pallas import tpu as pltpu
from jax.experimental.pallas import tpu_sc as plsc

_BATCH = 16384
_EMBED_DIM = 32
_NUM_USER = 1_000_000
_BPW = 512
_TAIL = (_NUM_USER // 128) * 128
_LAST_FULL = _NUM_USER // 128 - 1


@functools.cache
def _make_lookup():
    info = plsc.get_sparse_core_info()
    nc, ns = info.num_cores, info.num_subcores
    del ns
    mesh = plsc.VectorSubcoreMesh(core_axis_name="c", subcore_axis_name="s")

    @functools.partial(
        pl.kernel,
        mesh=mesh,
        out_type=jax.ShapeDtypeStruct((_BATCH, 128), jnp.float32),
        scratch_types=[
            pltpu.VMEM((1, _BPW), jnp.int32),
            pltpu.VMEM((_EMBED_DIM, 128), jnp.float32),
            pltpu.VMEM((_EMBED_DIM, 128), jnp.float32),
            pltpu.VMEM((_EMBED_DIM, 128), jnp.float32),
            pltpu.VMEM((_EMBED_DIM, 128), jnp.float32),
            pltpu.VMEM((_EMBED_DIM, 128), jnp.float32),
            pltpu.VMEM((_EMBED_DIM, 128), jnp.float32),
            pltpu.VMEM((_EMBED_DIM, 128), jnp.float32),
            pltpu.VMEM((_EMBED_DIM, 128), jnp.float32),
            pltpu.VMEM((_EMBED_DIM, 64), jnp.float32),
            pltpu.VMEM((_BPW, 128), jnp.float32),
            pltpu.SemaphoreType.DMA,
            pltpu.SemaphoreType.DMA,
            pltpu.SemaphoreType.DMA,
            pltpu.SemaphoreType.DMA,
            pltpu.SemaphoreType.DMA,
            pltpu.SemaphoreType.DMA,
            pltpu.SemaphoreType.DMA,
            pltpu.SemaphoreType.DMA,
            pltpu.SemaphoreType.DMA,
            
        ],
        compiler_params=pltpu.CompilerParams(needs_layout_passes=False),
    )
    def lookup(
        idx_hbm,
        table_hbm,
        out_hbm,
        idx_v,
        win0,
        win1,
        win2,
        win3,
        win4,
        win5,
        win6,
        win7,
        wtail,
        outs_v,
        sem0,
        sem1,
        sem2,
        sem3,
        sem4,
        sem5,
        sem6,
        sem7,
        sem8,
    ):
        w = lax.axis_index("s") * nc + lax.axis_index("c")
        base = w * _BPW
        pltpu.sync_copy(idx_hbm.at[pl.ds(w, 1)], idx_v)

        iota16 = lax.iota(jnp.int32, 16)

        def scalar_idx(i):
            x16 = idx_v[0, pl.ds((i // 16) * 16, 16)]
            m = iota16 == lax.rem(i, 16)
            return lax.reduce_max(jnp.where(m, x16, 0), (0,))

        def fetch(s, buf, sem):
            blk = lax.min(lax.shift_right_logical(s, 7), _LAST_FULL)
            c0 = pl.multiple_of(blk * 128, 128)
            return pltpu.async_copy(
                table_hbm.at[:, pl.ds(c0, 128)], buf, sem
            )

        def extract(i, s, buf):
            ii = jnp.full((16,), lax.bitwise_and(s, 127), jnp.int32)
            lo = plsc.load_gather(buf, [iota16, ii])
            hi = plsc.load_gather(buf, [iota16 + 16, ii])
            outs_v[i, pl.ds(0, 16)] = lo
            outs_v[i, pl.ds(16, 16)] = hi

        wins = (win0, win1, win2, win3, win4, win5, win6, win7)
        sems = (sem0, sem1, sem2, sem3, sem4, sem5, sem6, sem7)
        svals = []
        cps = []
        for q in range(8):
            sq = scalar_idx(q)
            svals.append(sq)
            cps.append(fetch(sq, wins[q], sems[q]))

        def body(p, carry):
            i0 = p * 8
            cur = list(carry)
            nxt = []
            for q in range(8):
                cps_q = pltpu.make_async_copy(
                    table_hbm.at[:, pl.ds(0, 128)], wins[q], sems[q]
                )
                cps_q.wait()
                extract(i0 + q, cur[q], wins[q])
                s_n = scalar_idx(i0 + 8 + q)
                fetch(s_n, wins[q], sems[q])
                nxt.append(s_n)
            return tuple(nxt)

        carry = lax.fori_loop(0, _BPW // 8 - 1, body, tuple(svals))
        i0 = _BPW - 8
        for q in range(8):
            pltpu.make_async_copy(
                table_hbm.at[:, pl.ds(0, 128)], wins[q], sems[q]
            ).wait()
            extract(i0 + q, carry[q], wins[q])

        pltpu.async_copy(
            table_hbm.at[:, pl.ds(_TAIL, _NUM_USER - _TAIL)], wtail, sem8
        ).wait()

        def tbody(v, _):
            bl = iota16 + v * 16
            x = idx_v[0, pl.ds(v * 16, 16)]
            m = x >= _TAIL
            ii = x - _TAIL
            ii = lax.max(ii, jnp.zeros((16,), jnp.int32))
            for k in range(_EMBED_DIM):
                kk = jnp.full((16,), k, jnp.int32)
                vals = plsc.load_gather(wtail, [kk, ii])
                plsc.store_scatter(outs_v, [bl, kk], vals, mask=m)
            return 0

        lax.fori_loop(0, _BPW // 16, tbody, 0)

        pltpu.sync_copy(outs_v, out_hbm.at[pl.ds(base, _BPW)])

    return lookup


@jax.jit
def kernel(user_fea, user_embedding):
    lookup = _make_lookup()
    idx2 = user_fea.astype(jnp.int32).reshape(32, _BPW)
    out128 = lookup(idx2, user_embedding.T)
    return out128[:, :_EMBED_DIM]

# --- scband reference (transcript-rebuilt; emitter-appended) ---
"""Pipeline reference for scband-user-embedding-ml-23527830848134 (READ-ONLY COPY).

The authoritative reference and input builder live on the scoring server;
editing this copy changes nothing except your own understanding.
"""

import jax, jax.numpy as jnp
import numpy as np

NUM_USER = 1000000
EMBED_DIM = 32
BATCH = 16384

def setup_inputs(seed: int = 0) -> dict:
    key = jax.random.key(seed)
    k_idx, k_tab = jax.random.split(key)
    user_fea = jax.random.randint(k_idx, (BATCH,), 0, NUM_USER, dtype=jnp.int64 if jax.config.jax_enable_x64 else jnp.int32)
    user_embedding = jax.random.normal(k_tab, (NUM_USER, EMBED_DIM), dtype=jnp.float32)
    return {"user_fea": user_fea, "user_embedding": user_embedding}

def reference(user_fea, user_embedding):
    # Faithful translation of nn.Embedding lookup: table[idx]
    userId_emb = jnp.take(user_embedding, user_fea, axis=0)
    return userId_emb

if __name__ == "__main__":
    import jax
    _d = setup_inputs()
    print(jax.jit(kernel)(*tuple(_d.values())))

</pallas_src>

<mosaic_0001>
#map = affine_map<(d0, d1) -> (0, 0)>
module attributes {stable_mosaic.version = 14 : i64} {
  func.func @lookup(%arg0: i32, %arg1: i32, %arg2: memref<32x512xi32, #tpu.memory_space<hbm>>, %arg3: memref<32x1000000xf32, #tpu.memory_space<hbm>>, %arg4: memref<16384x128xf32, #tpu.memory_space<hbm>>, %arg5: memref<1x512xi32, #tpu.memory_space<vmem>>, %arg6: memref<32x128xf32, #tpu.memory_space<vmem>>, %arg7: memref<32x128xf32, #tpu.memory_space<vmem>>, %arg8: memref<32x128xf32, #tpu.memory_space<vmem>>, %arg9: memref<32x128xf32, #tpu.memory_space<vmem>>, %arg10: memref<32x128xf32, #tpu.memory_space<vmem>>, %arg11: memref<32x128xf32, #tpu.memory_space<vmem>>, %arg12: memref<32x128xf32, #tpu.memory_space<vmem>>, %arg13: memref<32x128xf32, #tpu.memory_space<vmem>>, %arg14: memref<32x64xf32, #tpu.memory_space<vmem>>, %arg15: memref<512x128xf32, #tpu.memory_space<vmem>>, %arg16: memref<!tpu.dma_semaphore, #tpu.memory_space<semaphore_mem>>, %arg17: memref<!tpu.dma_semaphore, #tpu.memory_space<semaphore_mem>>, %arg18: memref<!tpu.dma_semaphore, #tpu.memory_space<semaphore_mem>>, %arg19: memref<!tpu.dma_semaphore, #tpu.memory_space<semaphore_mem>>, %arg20: memref<!tpu.dma_semaphore, #tpu.memory_space<semaphore_mem>>, %arg21: memref<!tpu.dma_semaphore, #tpu.memory_space<semaphore_mem>>, %arg22: memref<!tpu.dma_semaphore, #tpu.memory_space<semaphore_mem>>, %arg23: memref<!tpu.dma_semaphore, #tpu.memory_space<semaphore_mem>>, %arg24: memref<!tpu.dma_semaphore, #tpu.memory_space<semaphore_mem>>) attributes {dimension_semantics = [#tpu.dimension_semantics<core_parallel>, #tpu.dimension_semantics<subcore_parallel>], iteration_bounds = array<i64: 2, 16>, scalar_prefetch = 0 : i64, scratch_operands = 20 : i64, tpu.core_type = #tpu.core_type<sc_vector_subcore>, window_params = [{transform_indices = #map}, {transform_indices = #map}, {transform_indices = #map}]} {
    %mul3A = arith.constant 2 : i32
    %mul3A_0 = arith.muli %arg1, %mul3A : i32
    %add3A = arith.addi %mul3A_0, %arg0 : i32
    %mul3A_1 = arith.constant 512 : i32
    %mul3A_2 = arith.muli %add3A, %mul3A_1 : i32
    "tpu.region"() ({
      %run_scoped3A = tpu.sem_alloc : memref<!tpu.dma_semaphore, #tpu.memory_space<semaphore_mem>>
      %dma_start3A_436 = arith.constant 0 : i32
      %dma_start3A_437 = tpu.memref_slice %arg2[%add3A, %dma_start3A_436] : memref<32x512xi32, #tpu.memory_space<hbm>> -> memref<1x512xi32, #tpu.memory_space<hbm>>
      %dma_start3A_438 = arith.constant 0 : i32
      %dma_start3A_439 = tpu.memref_slice %arg2[%add3A, %dma_start3A_438] : memref<32x512xi32, #tpu.memory_space<hbm>> -> memref<1x512xi32, #tpu.memory_space<hbm>>
      tpu.enqueue_dma source(%dma_start3A_439 : memref<1x512xi32, #tpu.memory_space<hbm>>) target(%arg5 : memref<1x512xi32, #tpu.memory_space<vmem>>) target_semaphore(%run_scoped3A : memref<!tpu.dma_semaphore, #tpu.memory_space<semaphore_mem>>)
      %dma_wait3A_440 = arith.constant 0 : i32
      %dma_wait3A_441 = tpu.memref_slice %arg2[%add3A, %dma_wait3A_440] : memref<32x512xi32, #tpu.memory_space<hbm>> -> memref<1x512xi32, #tpu.memory_space<hbm>>
      %dma_wait3A_442 = arith.constant 0 : i32
      %dma_wait3A_443 = tpu.memref_slice %arg2[%add3A, %dma_wait3A_442] : memref<32x512xi32, #tpu.memory_space<hbm>> -> memref<1x512xi32, #tpu.memory_space<hbm>>
      tpu.wait_dma2 semaphore(%run_scoped3A : memref<!tpu.dma_semaphore, #tpu.memory_space<semaphore_mem>>) src(%dma_wait3A_443 : memref<1x512xi32, #tpu.memory_space<hbm>>) dst(%arg5 : memref<1x512xi32, #tpu.memory_space<vmem>>)
      tpu.yield
    }) : () -> ()
    %iota3A = tpu.iota {dimensions = array<i32: 0>} : vector<16xi32>
    %get3A = arith.constant 0 : i32
    %get3A_3 = arith.index_cast %get3A : i32 to index
    %get3A_4 = arith.constant 0 : index
    %get3A_5 = tpu.vector_load %arg5[%get3A_3, %get3A_4] {strides = array<i32>} : memref<1x512xi32, #tpu.memory_space<vmem>>, vector<16xi32>,
    %rem3A = arith.constant 0 : i32
    %rem3A_6 = arith.constant 16 : i32
    %rem3A_7 = arith.remsi %rem3A, %rem3A_6 : i32
    %eq3A = vector.broadcast %rem3A_7 : i32 to vector<16xi32>
    %eq3A_8 = arith.cmpi eq, %iota3A, %eq3A : vector<16xi32>
    %jit3A = arith.constant 0 : i32
    %broadcast_in_dim3A = vector.broadcast %jit3A : i32 to vector<16xi32>
    %select_n3A = arith.select %eq3A_8, %get3A_5, %broadcast_in_dim3A : vector<16xi1>, vector<16xi32>
    %reduce_max3A = arith.constant true
    %reduce_max3A_9 = vector.broadcast %reduce_max3A : i1 to vector<16xi1>
    %reduce_max3A_10 = arith.constant -2147483648 : i32
    %reduce_max3A_11 = vector.broadcast %reduce_max3A_10 : i32 to vector<16xi32>
    %reduce_max3A_12 = arith.xori %select_n3A, %reduce_max3A_11 : vector<16xi32>
    %reduce_max3A_13 = tpu.scan <max>, %reduce_max3A_12 masked %reduce_max3A_9 : vector<16xi32>, vector<16xi1> -> vector<16xi32>
    %reduce_max3A_14 = arith.xori %reduce_max3A_13, %reduce_max3A_11 : vector<16xi32>
    %reduce_max3A_15 = vector.extract %reduce_max3A_14[15] : i32 from vector<16xi32>
    %shift_right_logical3A = arith.constant 7 : i32
    %shift_right_logical3A_16 = arith.shrui %reduce_max3A_15, %shift_right_logical3A : i32
    %min3A = arith.constant 7811 : i32
    %min3A_17 = arith.minsi %shift_right_logical3A_16, %min3A : i32
    %mul3A_18 = arith.constant 128 : i32
    %mul3A_19 = arith.muli %min3A_17, %mul3A_18 : i32
    %multiple_of3A = tpu.assume_multiple %mul3A_19, 128 : i32
    %dma_start3A = arith.constant 0 : i32
    %dma_start3A_20 = tpu.memref_slice %arg3[%dma_start3A, %multiple_of3A] : memref<32x1000000xf32, #tpu.memory_space<hbm>> -> memref<32x128xf32, #tpu.memory_space<hbm>>
    %dma_start3A_21 = arith.constant 0 : i32
    %dma_start3A_22 = tpu.memref_slice %arg3[%dma_start3A_21, %multiple_of3A] : memref<32x1000000xf32, #tpu.memory_space<hbm>> -> memref<32x128xf32, #tpu.memory_space<hbm>>
    tpu.enqueue_dma source(%dma_start3A_22 : memref<32x128xf32, #tpu.memory_space<hbm>>) target(%arg6 : memref<32x128xf32, #tpu.memory_space<vmem>>) target_semaphore(%arg16 : memref<!tpu.dma_semaphore, #tpu.memory_space<semaphore_mem>>)
    %get3A_23 = arith.constant 0 : i32
    %get3A_24 = arith.index_cast %get3A_23 : i32 to index
    %get3A_25 = arith.constant 0 : index
    %get3A_26 = tpu.vector_load %arg5[%get3A_24, %get3A_25] {strides = array<i32>} : memref<1x512xi32, #tpu.memory_space<vmem>>, vector<16xi32>,
    %rem3A_27 = arith.constant 1 : i32
    %rem3A_28 = arith.constant 16 : i32
    %rem3A_29 = arith.remsi %rem3A_27, %rem3A_28 : i32
    %eq3A_30 = vector.broadcast %rem3A_29 : i32 to vector<16xi32>
    %eq3A_31 = arith.cmpi eq, %iota3A, %eq3A_30 : vector<16xi32>
    %jit3A_32 = arith.constant 0 : i32
    %broadcast_in_dim3A_33 = vector.broadcast %jit3A_32 : i32 to vector<16xi32>
    %select_n3A_34 = arith.select %eq3A_31, %get3A_26, %broadcast_in_dim3A_33 : vector<16xi1>, vector<16xi32>
    %reduce_max3A_35 = arith.constant true
    %reduce_max3A_36 = vector.broadcast %reduce_max3A_35 : i1 to vector<16xi1>
    %reduce_max3A_37 = arith.constant -2147483648 : i32
    %reduce_max3A_38 = vector.broadcast %reduce_max3A_37 : i32 to vector<16xi32>
    %reduce_max3A_39 = arith.xori %select_n3A_34, %reduce_max3A_38 : vector<16xi32>
    %reduce_max3A_40 = tpu.scan <max>, %reduce_max3A_39 masked %reduce_max3A_36 : vector<16xi32>, vector<16xi1> -> vector<16xi32>
    %reduce_max3A_41 = arith.xori %reduce_max3A_40, %reduce_max3A_38 : vector<16xi32>
    %reduce_max3A_42 = vector.extract %reduce_max3A_41[15] : i32 from vector<16xi32>
    %shift_right_logical3A_43 = arith.constant 7 : i32
    %shift_right_logical3A_44 = arith.shrui %reduce_max3A_42, %shift_right_logical3A_43 : i32
    %min3A_45 = arith.constant 7811 : i32
    %min3A_46 = arith.minsi %shift_right_logical3A_44, %min3A_45 : i32
    %mul3A_47 = arith.constant 128 : i32
    %mul3A_48 = arith.muli %min3A_46, %mul3A_47 : i32
    %multiple_of3A_49 = tpu.assume_multiple %mul3A_48, 128 : i32
    %dma_start3A_50 = arith.constant 0 : i32
    %dma_start3A_51 = tpu.memref_slice %arg3[%dma_start3A_50, %multiple_of3A_49] : memref<32x1000000xf32, #tpu.memory_space<hbm>> -> memref<32x128xf32, #tpu.memory_space<hbm>>
    %dma_start3A_52 = arith.constant 0 : i32
    %dma_start3A_53 = tpu.memref_slice %arg3[%dma_start3A_52, %multiple_of3A_49] : memref<32x1000000xf32, #tpu.memory_space<hbm>> -> memref<32x128xf32, #tpu.memory_space<hbm>>
    tpu.enqueue_dma source(%dma_start3A_53 : memref<32x128xf32, #tpu.memory_space<hbm>>) target(%arg7 : memref<32x128xf32, #tpu.memory_space<vmem>>) target_semaphore(%arg17 : memref<!tpu.dma_semaphore, #tpu.memory_space<semaphore_mem>>)
    %get3A_54 = arith.constant 0 : i32
    %get3A_55 = arith.index_cast %get3A_54 : i32 to index
    %get3A_56 = arith.constant 0 : index
    %get3A_57 = tpu.vector_load %arg5[%get3A_55, %get3A_56] {strides = array<i32>} : memref<1x512xi32, #tpu.memory_space<vmem>>, vector<16xi32>,
    %rem3A_58 = arith.constant 2 : i32
    %rem3A_59 = arith.constant 16 : i32
    %rem3A_60 = arith.remsi %rem3A_58, %rem3A_59 : i32
    %eq3A_61 = vector.broadcast %rem3A_60 : i32 to vector<16xi32>
    %eq3A_62 = arith.cmpi eq, %iota3A, %eq3A_61 : vector<16xi32>
    %jit3A_63 = arith.constant 0 : i32
    %broadcast_in_dim3A_64 = vector.broadcast %jit3A_63 : i32 to vector<16xi32>
    %select_n3A_65 = arith.select %eq3A_62, %get3A_57, %broadcast_in_dim3A_64 : vector<16xi1>, vector<16xi32>
    %reduce_max3A_66 = arith.constant true
    %reduce_max3A_67 = vector.broadcast %reduce_max3A_66 : i1 to vector<16xi1>
    %reduce_max3A_68 = arith.constant -2147483648 : i32
    %reduce_max3A_69 = vector.broadcast %reduce_max3A_68 : i32 to vector<16xi32>
    %reduce_max3A_70 = arith.xori %select_n3A_65, %reduce_max3A_69 : vector<16xi32>
    %reduce_max3A_71 = tpu.scan <max>, %reduce_max3A_70 masked %reduce_max3A_67 : vector<16xi32>, vector<16xi1> -> vector<16xi32>
    %reduce_max3A_72 = arith.xori %reduce_max3A_71, %reduce_max3A_69 : vector<16xi32>
    %reduce_max3A_73 = vector.extract %reduce_max3A_72[15] : i32 from vector<16xi32>
    %shift_right_logical3A_74 = arith.constant 7 : i32
    %shift_right_logical3A_75 = arith.shrui %reduce_max3A_73, %shift_right_logical3A_74 : i32
    %min3A_76 = arith.constant 7811 : i32
    %min3A_77 = arith.minsi %shift_right_logical3A_75, %min3A_76 : i32
    %mul3A_78 = arith.constant 128 : i32
    %mul3A_79 = arith.muli %min3A_77, %mul3A_78 : i32
    %multiple_of3A_80 = tpu.assume_multiple %mul3A_79, 128 : i32
    %dma_start3A_81 = arith.constant 0 : i32
    %dma_start3A_82 = tpu.memref_slice %arg3[%dma_start3A_81, %multiple_of3A_80] : memref<32x1000000xf32, #tpu.memory_space<hbm>> -> memref<32x128xf32, #tpu.memory_space<hbm>>
    %dma_start3A_83 = arith.constant 0 : i32
    %dma_start3A_84 = tpu.memref_slice %arg3[%dma_start3A_83, %multiple_of3A_80] : memref<32x1000000xf32, #tpu.memory_space<hbm>> -> memref<32x128xf32, #tpu.memory_space<hbm>>
    tpu.enqueue_dma source(%dma_start3A_84 : memref<32x128xf32, #tpu.memory_space<hbm>>) target(%arg8 : memref<32x128xf32, #tpu.memory_space<vmem>>) target_semaphore(%arg18 : memref<!tpu.dma_semaphore, #tpu.memory_space<semaphore_mem>>)
    %get3A_85 = arith.constant 0 : i32
    %get3A_86 = arith.index_cast %get3A_85 : i32 to index
    %get3A_87 = arith.constant 0 : index
    %get3A_88 = tpu.vector_load %arg5[%get3A_86, %get3A_87] {strides = array<i32>} : memref<1x512xi32, #tpu.memory_space<vmem>>, vector<16xi32>,
    %rem3A_89 = arith.constant 3 : i32
    %rem3A_90 = arith.constant 16 : i32
    %rem3A_91 = arith.remsi %rem3A_89, %rem3A_90 : i32
    %eq3A_92 = vector.broadcast %rem3A_91 : i32 to vector<16xi32>
    %eq3A_93 = arith.cmpi eq, %iota3A, %eq3A_92 : vector<16xi32>
    %jit3A_94 = arith.constant 0 : i32
    %broadcast_in_dim3A_95 = vector.broadcast %jit3A_94 : i32 to vector<16xi32>
    %select_n3A_96 = arith.select %eq3A_93, %get3A_88, %broadcast_in_dim3A_95 : vector<16xi1>, vector<16xi32>
    %reduce_max3A_97 = arith.constant true
    %reduce_max3A_98 = vector.broadcast %reduce_max3A_97 : i1 to vector<16xi1>
    %reduce_max3A_99 = arith.constant -2147483648 : i32
    %reduce_max3A_100 = vector.broadcast %reduce_max3A_99 : i32 to vector<16xi32>
    %reduce_max3A_101 = arith.xori %select_n3A_96, %reduce_max3A_100 : vector<16xi32>
    %reduce_max3A_102 = tpu.scan <max>, %reduce_max3A_101 masked %reduce_max3A_98 : vector<16xi32>, vector<16xi1> -> vector<16xi32>
    %reduce_max3A_103 = arith.xori %reduce_max3A_102, %reduce_max3A_100 : vector<16xi32>
    %reduce_max3A_104 = vector.extract %reduce_max3A_103[15] : i32 from vector<16xi32>
    %shift_right_logical3A_105 = arith.constant 7 : i32
    %shift_right_logical3A_106 = arith.shrui %reduce_max3A_104, %shift_right_logical3A_105 : i32
    %min3A_107 = arith.constant 7811 : i32
    %min3A_108 = arith.minsi %shift_right_logical3A_106, %min3A_107 : i32
    %mul3A_109 = arith.constant 128 : i32
    %mul3A_110 = arith.muli %min3A_108, %mul3A_109 : i32
    %multiple_of3A_111 = tpu.assume_multiple %mul3A_110, 128 : i32
    %dma_start3A_112 = arith.constant 0 : i32
    %dma_start3A_113 = tpu.memref_slice %arg3[%dma_start3A_112, %multiple_of3A_111] : memref<32x1000000xf32, #tpu.memory_space<hbm>> -> memref<32x128xf32, #tpu.memory_space<hbm>>
    %dma_start3A_114 = arith.constant 0 : i32
    %dma_start3A_115 = tpu.memref_slice %arg3[%dma_start3A_114, %multiple_of3A_111] : memref<32x1000000xf32, #tpu.memory_space<hbm>> -> memref<32x128xf32, #tpu.memory_space<hbm>>
    tpu.enqueue_dma source(%dma_start3A_115 : memref<32x128xf32, #tpu.memory_space<hbm>>) target(%arg9 : memref<32x128xf32, #tpu.memory_space<vmem>>) target_semaphore(%arg19 : memref<!tpu.dma_semaphore, #tpu.memory_space<semaphore_mem>>)
    %get3A_116 = arith.constant 0 : i32
    %get3A_117 = arith.index_cast %get3A_116 : i32 to index
    %get3A_118 = arith.constant 0 : index
    %get3A_119 = tpu.vector_load %arg5[%get3A_117, %get3A_118] {strides = array<i32>} : memref<1x512xi32, #tpu.memory_space<vmem>>, vector<16xi32>,
    %rem3A_120 = arith.constant 4 : i32
    %rem3A_121 = arith.constant 16 : i32
    %rem3A_122 = arith.remsi %rem3A_120, %rem3A_121 : i32
    %eq3A_123 = vector.broadcast %rem3A_122 : i32 to vector<16xi32>
    %eq3A_124 = arith.cmpi eq, %iota3A, %eq3A_123 : vector<16xi32>
    %jit3A_125 = arith.constant 0 : i32
    %broadcast_in_dim3A_126 = vector.broadcast %jit3A_125 : i32 to vector<16xi32>
    %select_n3A_127 = arith.select %eq3A_124, %get3A_119, %broadcast_in_dim3A_126 : vector<16xi1>, vector<16xi32>
    %reduce_max3A_128 = arith.constant true
    %reduce_max3A_129 = vector.broadcast %reduce_max3A_128 : i1 to vector<16xi1>
    %reduce_max3A_130 = arith.constant -2147483648 : i32
    %reduce_max3A_131 = vector.broadcast %reduce_max3A_130 : i32 to vector<16xi32>
    %reduce_max3A_132 = arith.xori %select_n3A_127, %reduce_max3A_131 : vector<16xi32>
    %reduce_max3A_133 = tpu.scan <max>, %reduce_max3A_132 masked %reduce_max3A_129 : vector<16xi32>, vector<16xi1> -> vector<16xi32>
    %reduce_max3A_134 = arith.xori %reduce_max3A_133, %reduce_max3A_131 : vector<16xi32>
    %reduce_max3A_135 = vector.extract %reduce_max3A_134[15] : i32 from vector<16xi32>
    %shift_right_logical3A_136 = arith.constant 7 : i32
    %shift_right_logical3A_137 = arith.shrui %reduce_max3A_135, %shift_right_logical3A_136 : i32
    %min3A_138 = arith.constant 7811 : i32
    %min3A_139 = arith.minsi %shift_right_logical3A_137, %min3A_138 : i32
    %mul3A_140 = arith.constant 128 : i32
    %mul3A_141 = arith.muli %min3A_139, %mul3A_140 : i32
    %multiple_of3A_142 = tpu.assume_multiple %mul3A_141, 128 : i32
    %dma_start3A_143 = arith.constant 0 : i32
    %dma_start3A_144 = tpu.memref_slice %arg3[%dma_start3A_143, %multiple_of3A_142] : memref<32x1000000xf32, #tpu.memory_space<hbm>> -> memref<32x128xf32, #tpu.memory_space<hbm>>
    %dma_start3A_145 = arith.constant 0 : i32
    %dma_start3A_146 = tpu.memref_slice %arg3[%dma_start3A_145, %multiple_of3A_142] : memref<32x1000000xf32, #tpu.memory_space<hbm>> -> memref<32x128xf32, #tpu.memory_space<hbm>>
    tpu.enqueue_dma source(%dma_start3A_146 : memref<32x128xf32, #tpu.memory_space<hbm>>) target(%arg10 : memref<32x128xf32, #tpu.memory_space<vmem>>) target_semaphore(%arg20 : memref<!tpu.dma_semaphore, #tpu.memory_space<semaphore_mem>>)
    %get3A_147 = arith.constant 0 : i32
    %get3A_148 = arith.index_cast %get3A_147 : i32 to index
    %get3A_149 = arith.constant 0 : index
    %get3A_150 = tpu.vector_load %arg5[%get3A_148, %get3A_149] {strides = array<i32>} : memref<1x512xi32, #tpu.memory_space<vmem>>, vector<16xi32>,
    %rem3A_151 = arith.constant 5 : i32
    %rem3A_152 = arith.constant 16 : i32
    %rem3A_153 = arith.remsi %rem3A_151, %rem3A_152 : i32
    %eq3A_154 = vector.broadcast %rem3A_153 : i32 to vector<16xi32>
    %eq3A_155 = arith.cmpi eq, %iota3A, %eq3A_154 : vector<16xi32>
    %jit3A_156 = arith.constant 0 : i32
    %broadcast_in_dim3A_157 = vector.broadcast %jit3A_156 : i32 to vector<16xi32>
    %select_n3A_158 = arith.select %eq3A_155, %get3A_150, %broadcast_in_dim3A_157 : vector<16xi1>, vector<16xi32>
    %reduce_max3A_159 = arith.constant true
    %reduce_max3A_160 = vector.broadcast %reduce_max3A_159 : i1 to vector<16xi1>
    %reduce_max3A_161 = arith.constant -2147483648 : i32
    %reduce_max3A_162 = vector.broadcast %reduce_max3A_161 : i32 to vector<16xi32>
    %reduce_max3A_163 = arith.xori %select_n3A_158, %reduce_max3A_162 : vector<16xi32>
    %reduce_max3A_164 = tpu.scan <max>, %reduce_max3A_163 masked %reduce_max3A_160 : vector<16xi32>, vector<16xi1> -> vector<16xi32>
    %reduce_max3A_165 = arith.xori %reduce_max3A_164, %reduce_max3A_162 : vector<16xi32>
    %reduce_max3A_166 = vector.extract %reduce_max3A_165[15] : i32 from vector<16xi32>
    %shift_right_logical3A_167 = arith.constant 7 : i32
    %shift_right_logical3A_168 = arith.shrui %reduce_max3A_166, %shift_right_logical3A_167 : i32
    %min3A_169 = arith.constant 7811 : i32
    %min3A_170 = arith.minsi %shift_right_logical3A_168, %min3A_169 : i32
    %mul3A_171 = arith.constant 128 : i32
    %mul3A_172 = arith.muli %min3A_170, %mul3A_171 : i32
    %multiple_of3A_173 = tpu.assume_multiple %mul3A_172, 128 : i32
    %dma_start3A_174 = arith.constant 0 : i32
    %dma_start3A_175 = tpu.memref_slice %arg3[%dma_start3A_174, %multiple_of3A_173] : memref<32x1000000xf32, #tpu.memory_space<hbm>> -> memref<32x128xf32, #tpu.memory_space<hbm>>
    %dma_start3A_176 = arith.constant 0 : i32
    %dma_start3A_177 = tpu.memref_slice %arg3[%dma_start3A_176, %multiple_of3A_173] : memref<32x1000000xf32, #tpu.memory_space<hbm>> -> memref<32x128xf32, #tpu.memory_space<hbm>>
    tpu.enqueue_dma source(%dma_start3A_177 : memref<32x128xf32, #tpu.memory_space<hbm>>) target(%arg11 : memref<32x128xf32, #tpu.memory_space<vmem>>) target_semaphore(%arg21 : memref<!tpu.dma_semaphore, #tpu.memory_space<semaphore_mem>>)
    %get3A_178 = arith.constant 0 : i32
    %get3A_179 = arith.index_cast %get3A_178 : i32 to index
    %get3A_180 = arith.constant 0 : index
    %get3A_181 = tpu.vector_load %arg5[%get3A_179, %get3A_180] {strides = array<i32>} : memref<1x512xi32, #tpu.memory_space<vmem>>, vector<16xi32>,
    %rem3A_182 = arith.constant 6 : i32
    %rem3A_183 = arith.constant 16 : i32
    %rem3A_184 = arith.remsi %rem3A_182, %rem3A_183 : i32
    %eq3A_185 = vector.broadcast %rem3A_184 : i32 to vector<16xi32>
    %eq3A_186 = arith.cmpi eq, %iota3A, %eq3A_185 : vector<16xi32>
    %jit3A_187 = arith.constant 0 : i32
    %broadcast_in_dim3A_188 = vector.broadcast %jit3A_187 : i32 to vector<16xi32>
    %select_n3A_189 = arith.select %eq3A_186, %get3A_181, %broadcast_in_dim3A_188 : vector<16xi1>, vector<16xi32>
    %reduce_max3A_190 = arith.constant true
    %reduce_max3A_191 = vector.broadcast %reduce_max3A_190 : i1 to vector<16xi1>
    %reduce_max3A_192 = arith.constant -2147483648 : i32
    %reduce_max3A_193 = vector.broadcast %reduce_max3A_192 : i32 to vector<16xi32>
    %reduce_max3A_194 = arith.xori %select_n3A_189, %reduce_max3A_193 : vector<16xi32>
    %reduce_max3A_195 = tpu.scan <max>, %reduce_max3A_194 masked %reduce_max3A_191 : vector<16xi32>, vector<16xi1> -> vector<16xi32>
    %reduce_max3A_196 = arith.xori %reduce_max3A_195, %reduce_max3A_193 : vector<16xi32>
    %reduce_max3A_197 = vector.extract %reduce_max3A_196[15] : i32 from vector<16xi32>
    %shift_right_logical3A_198 = arith.constant 7 : i32
    %shift_right_logical3A_199 = arith.shrui %reduce_max3A_197, %shift_right_logical3A_198 : i32
    %min3A_200 = arith.constant 7811 : i32
    %min3A_201 = arith.minsi %shift_right_logical3A_199, %min3A_200 : i32
    %mul3A_202 = arith.constant 128 : i32
    %mul3A_203 = arith.muli %min3A_201, %mul3A_202 : i32
    %multiple_of3A_204 = tpu.assume_multiple %mul3A_203, 128 : i32
    %dma_start3A_205 = arith.constant 0 : i32
    %dma_start3A_206 = tpu.memref_slice %arg3[%dma_start3A_205, %multiple_of3A_204] : memref<32x1000000xf32, #tpu.memory_space<hbm>> -> memref<32x128xf32, #tpu.memory_space<hbm>>
    %dma_start3A_207 = arith.constant 0 : i32
    %dma_start3A_208 = tpu.memref_slice %arg3[%dma_start3A_207, %multiple_of3A_204] : memref<32x1000000xf32, #tpu.memory_space<hbm>> -> memref<32x128xf32, #tpu.memory_space<hbm>>
    tpu.enqueue_dma source(%dma_start3A_208 : memref<32x128xf32, #tpu.memory_space<hbm>>) target(%arg12 : memref<32x128xf32, #tpu.memory_space<vmem>>) target_semaphore(%arg22 : memref<!tpu.dma_semaphore, #tpu.memory_space<semaphore_mem>>)
    %get3A_209 = arith.constant 0 : i32
    %get3A_210 = arith.index_cast %get3A_209 : i32 to index
    %get3A_211 = arith.constant 0 : index
    %get3A_212 = tpu.vector_load %arg5[%get3A_210, %get3A_211] {strides = array<i32>} : memref<1x512xi32, #tpu.memory_space<vmem>>, vector<16xi32>,
    %rem3A_213 = arith.constant 7 : i32
    %rem3A_214 = arith.constant 16 : i32
    %rem3A_215 = arith.remsi %rem3A_213, %rem3A_214 : i32
    %eq3A_216 = vector.broadcast %rem3A_215 : i32 to vector<16xi32>
    %eq3A_217 = arith.cmpi eq, %iota3A, %eq3A_216 : vector<16xi32>
    %jit3A_218 = arith.constant 0 : i32
    %broadcast_in_dim3A_219 = vector.broadcast %jit3A_218 : i32 to vector<16xi32>
    %select_n3A_220 = arith.select %eq3A_217, %get3A_212, %broadcast_in_dim3A_219 : vector<16xi1>, vector<16xi32>
    %reduce_max3A_221 = arith.constant true
    %reduce_max3A_222 = vector.broadcast %reduce_max3A_221 : i1 to vector<16xi1>
    %reduce_max3A_223 = arith.constant -2147483648 : i32
    %reduce_max3A_224 = vector.broadcast %reduce_max3A_223 : i32 to vector<16xi32>
    %reduce_max3A_225 = arith.xori %select_n3A_220, %reduce_max3A_224 : vector<16xi32>
    %reduce_max3A_226 = tpu.scan <max>, %reduce_max3A_225 masked %reduce_max3A_222 : vector<16xi32>, vector<16xi1> -> vector<16xi32>
    %reduce_max3A_227 = arith.xori %reduce_max3A_226, %reduce_max3A_224 : vector<16xi32>
    %reduce_max3A_228 = vector.extract %reduce_max3A_227[15] : i32 from vector<16xi32>
    %shift_right_logical3A_229 = arith.constant 7 : i32
    %shift_right_logical3A_230 = arith.shrui %reduce_max3A_228, %shift_right_logical3A_229 : i32
    %min3A_231 = arith.constant 7811 : i32
    %min3A_232 = arith.minsi %shift_right_logical3A_230, %min3A_231 : i32
    %mul3A_233 = arith.constant 128 : i32
    %mul3A_234 = arith.muli %min3A_232, %mul3A_233 : i32
    %multiple_of3A_235 = tpu.assume_multiple %mul3A_234, 128 : i32
    %dma_start3A_236 = arith.constant 0 : i32
    %dma_start3A_237 = tpu.memref_slice %arg3[%dma_start3A_236, %multiple_of3A_235] : memref<32x1000000xf32, #tpu.memory_space<hbm>> -> memref<32x128xf32, #tpu.memory_space<hbm>>
    %dma_start3A_238 = arith.constant 0 : i32
    %dma_start3A_239 = tpu.memref_slice %arg3[%dma_start3A_238, %multiple_of3A_235] : memref<32x1000000xf32, #tpu.memory_space<hbm>> -> memref<32x128xf32, #tpu.memory_space<hbm>>
    tpu.enqueue_dma source(%dma_start3A_239 : memref<32x128xf32, #tpu.memory_space<hbm>>) target(%arg13 : memref<32x128xf32, #tpu.memory_space<vmem>>) target_semaphore(%arg23 : memref<!tpu.dma_semaphore, #tpu.memory_space<semaphore_mem>>)
    %scan3A = arith.constant 0 : i32
    %scan3A_240 = arith.constant 63 : i32
    %scan3A_241 = arith.addi %scan3A, %scan3A_240 : i32
    %scan3A_242 = arith.constant 1 : i32
    %scan3A_243:8 = scf.for %scan3A_436 = %scan3A to %scan3A_241 step %scan3A_242 iter_args(%scan3A_437 = %reduce_max3A_15, %scan3A_438 = %reduce_max3A_42, %scan3A_439 = %reduce_max3A_73, %scan3A_440 = %reduce_max3A_104, %scan3A_441 = %reduce_max3A_135, %scan3A_442 = %reduce_max3A_166, %scan3A_443 = %reduce_max3A_197, %scan3A_444 = %reduce_max3A_228) -> (i32, i32, i32, i32, i32, i32, i32, i32)  : i32 {
      %mul3A_445 = arith.constant 8 : i32
      %mul3A_446 = arith.muli %scan3A_436, %mul3A_445 : i32
      %dma_wait3A_447 = arith.constant 0 : i32
      %dma_wait3A_448 = arith.constant 0 : i32
      %dma_wait3A_449 = tpu.memref_slice %arg3[%dma_wait3A_447, %dma_wait3A_448] : memref<32x1000000xf32, #tpu.memory_space<hbm>> -> memref<32x128xf32, #tpu.memory_space<hbm>>
      %dma_wait3A_450 = arith.constant 0 : i32
      %dma_wait3A_451 = arith.constant 0 : i32
      %dma_wait3A_452 = tpu.memref_slice %arg3[%dma_wait3A_450, %dma_wait3A_451] : memref<32x1000000xf32, #tpu.memory_space<hbm>> -> memref<32x128xf32, #tpu.memory_space<hbm>>
      tpu.wait_dma2 semaphore(%arg16 : memref<!tpu.dma_semaphore, #tpu.memory_space<semaphore_mem>>) src(%dma_wait3A_452 : memref<32x128xf32, #tpu.memory_space<hbm>>) dst(%arg6 : memref<32x128xf32, #tpu.memory_space<vmem>>)
      %add3A_453 = arith.constant 0 : i32
      %add3A_454 = arith.addi %mul3A_446, %add3A_453 : i32
      %and3A_455 = arith.constant 127 : i32
      %and3A_456 = arith.andi %scan3A_437, %and3A_455 : i32
      %broadcast_in_dim3A_457 = vector.broadcast %and3A_456 : i32 to vector<16xi32>
      %gather3A_458 = tpu.vector_load_idx %arg6[%iota3A, %broadcast_in_dim3A_457] : memref<32x128xf32, #tpu.memory_space<vmem>>[vector<16xi32>, vector<16xi32>], vector<16xf32>,
      %add3A_459 = arith.constant 16 : i32
      %add3A_460 = vector.broadcast %add3A_459 : i32 to vector<16xi32>
      %add3A_461 = arith.addi %iota3A, %add3A_460 : vector<16xi32>
      %gather3A_462 = tpu.vector_load_idx %arg6[%add3A_461, %broadcast_in_dim3A_457] : memref<32x128xf32, #tpu.memory_space<vmem>>[vector<16xi32>, vector<16xi32>], vector<16xf32>,
      %swap3A_463 = arith.index_cast %add3A_454 : i32 to index
      %swap3A_464 = arith.constant 0 : index
      %swap3A_465 = tpu.vector_load %arg15[%swap3A_463, %swap3A_464] {strides = array<i32>} : memref<512x128xf32, #tpu.memory_space<vmem>>, vector<16xf32>,
      tpu.vector_store %arg15[%swap3A_463, %swap3A_464], %gather3A_458 {strides = array<i32>} : memref<512x128xf32, #tpu.memory_space<vmem>>, vector<16xf32>,
      %swap3A_466 = arith.index_cast %add3A_454 : i32 to index
      %swap3A_467 = arith.constant 16 : index
      %swap3A_468 = tpu.vector_load %arg15[%swap3A_466, %swap3A_467] {strides = array<i32>} : memref<512x128xf32, #tpu.memory_space<vmem>>, vector<16xf32>,
      tpu.vector_store %arg15[%swap3A_466, %swap3A_467], %gather3A_462 {strides = array<i32>} : memref<512x128xf32, #tpu.memory_space<vmem>>, vector<16xf32>,
      %add3A_469 = arith.constant 8 : i32
      %add3A_470 = arith.addi %mul3A_446, %add3A_469 : i32
      %add3A_471 = arith.constant 0 : i32
      %add3A_472 = arith.addi %add3A_470, %add3A_471 : i32
      %jit3A_473 = arith.constant 16 : i32
      %div3A = arith.divsi %add3A_472, %jit3A_473 : i32
      %sign3A = arith.constant 0 : i32
      %sign3A_474 = arith.cmpi sgt, %add3A_472, %sign3A : i32
      %sign3A_475 = arith.extui %sign3A_474 : i1 to i32
      %sign3A_476 = arith.constant 0 : i32
      %sign3A_477 = arith.cmpi slt, %add3A_472, %sign3A_476 : i32
      %sign3A_478 = arith.extui %sign3A_477 : i1 to i32
      %sign3A_479 = arith.subi %sign3A_475, %sign3A_478 : i32
      %sign3A_480 = arith.constant 0 : i32
      %sign3A_481 = arith.cmpi sgt, %jit3A_473, %sign3A_480 : i32
      %sign3A_482 = arith.extui %sign3A_481 : i1 to i32
      %sign3A_483 = arith.constant 0 : i32
      %sign3A_484 = arith.cmpi slt, %jit3A_473, %sign3A_483 : i32
      %sign3A_485 = arith.extui %sign3A_484 : i1 to i32
      %sign3A_486 = arith.subi %sign3A_482, %sign3A_485 : i32
      %ne3A = arith.cmpi ne, %sign3A_479, %sign3A_486 : i32
      %rem3A_487 = arith.remsi %add3A_472, %jit3A_473 : i32
      %ne3A_488 = arith.constant 0 : i32
      %ne3A_489 = arith.cmpi ne, %rem3A_487, %ne3A_488 : i32
      %and3A_490 = arith.andi %ne3A, %ne3A_489 : i1
      %sub3A = arith.constant 1 : i32
      %sub3A_491 = arith.subi %div3A, %sub3A : i32
      %select_n3A_492 = arith.select %and3A_490, %sub3A_491, %div3A : i32
      %mul3A_493 = arith.constant 16 : i32
      %mul3A_494 = arith.muli %select_n3A_492, %mul3A_493 : i32
      %get3A_495 = arith.constant 0 : i32
      %get3A_496 = arith.index_cast %get3A_495 : i32 to index
      %get3A_497 = arith.index_cast %mul3A_494 : i32 to index
      %get3A_498 = tpu.vector_load %arg5[%get3A_496, %get3A_497] {strides = array<i32>} : memref<1x512xi32, #tpu.memory_space<vmem>>, vector<16xi32>,
      %rem3A_499 = arith.constant 16 : i32
      %rem3A_500 = arith.remsi %add3A_472, %rem3A_499 : i32
      %eq3A_501 = vector.broadcast %rem3A_500 : i32 to vector<16xi32>
      %eq3A_502 = arith.cmpi eq, %iota3A, %eq3A_501 : vector<16xi32>
      %jit3A_503 = arith.constant 0 : i32
      %broadcast_in_dim3A_504 = vector.broadcast %jit3A_503 : i32 to vector<16xi32>
      %select_n3A_505 = arith.select %eq3A_502, %get3A_498, %broadcast_in_dim3A_504 : vector<16xi1>, vector<16xi32>
      %reduce_max3A_506 = arith.constant true
      %reduce_max3A_507 = vector.broadcast %reduce_max3A_506 : i1 to vector<16xi1>
      %reduce_max3A_508 = arith.constant -2147483648 : i32
      %reduce_max3A_509 = vector.broadcast %reduce_max3A_508 : i32 to vector<16xi32>
      %reduce_max3A_510 = arith.xori %select_n3A_505, %reduce_max3A_509 : vector<16xi32>
      %reduce_max3A_511 = tpu.scan <max>, %reduce_max3A_510 masked %reduce_max3A_507 : vector<16xi32>, vector<16xi1> -> vector<16xi32>
      %reduce_max3A_512 = arith.xori %reduce_max3A_511, %reduce_max3A_509 : vector<16xi32>
      %reduce_max3A_513 = vector.extract %reduce_max3A_512[15] : i32 from vector<16xi32>
      %shift_right_logical3A_514 = arith.constant 7 : i32
      %shift_right_logical3A_515 = arith.shrui %reduce_max3A_513, %shift_right_logical3A_514 : i32
      %min3A_516 = arith.constant 7811 : i32
      %min3A_517 = arith.minsi %shift_right_logical3A_515, %min3A_516 : i32
      %mul3A_518 = arith.constant 128 : i32
      %mul3A_519 = arith.muli %min3A_517, %mul3A_518 : i32
      %multiple_of3A_520 = tpu.assume_multiple %mul3A_519, 128 : i32
      %dma_start3A_521 = arith.constant 0 : i32
      %dma_start3A_522 = tpu.memref_slice %arg3[%dma_start3A_521, %multiple_of3A_520] : memref<32x1000000xf32, #tpu.memory_space<hbm>> -> memref<32x128xf32, #tpu.memory_space<hbm>>
      %dma_start3A_523 = arith.constant 0 : i32
      %dma_start3A_524 = tpu.memref_slice %arg3[%dma_start3A_523, %multiple_of3A_520] : memref<32x1000000xf32, #tpu.memory_space<hbm>> -> memref<32x128xf32, #tpu.memory_space<hbm>>
      tpu.enqueue_dma source(%dma_start3A_524 : memref<32x128xf32, #tpu.memory_space<hbm>>) target(%arg6 : memref<32x128xf32, #tpu.memory_space<vmem>>) target_semaphore(%arg16 : memref<!tpu.dma_semaphore, #tpu.memory_space<semaphore_mem>>)
      %dma_wait3A_525 = arith.constant 0 : i32
      %dma_wait3A_526 = arith.constant 0 : i32
      %dma_wait3A_527 = tpu.memref_slice %arg3[%dma_wait3A_525, %dma_wait3A_526] : memref<32x1000000xf32, #tpu.memory_space<hbm>> -> memref<32x128xf32, #tpu.memory_space<hbm>>
      %dma_wait3A_528 = arith.constant 0 : i32
      %dma_wait3A_529 = arith.constant 0 : i32
      %dma_wait3A_530 = tpu.memref_slice %arg3[%dma_wait3A_528, %dma_wait3A_529] : memref<32x1000000xf32, #tpu.memory_space<hbm>> -> memref<32x128xf32, #tpu.memory_space<hbm>>
      tpu.wait_dma2 semaphore(%arg17 : memref<!tpu.dma_semaphore, #tpu.memory_space<semaphore_mem>>) src(%dma_wait3A_530 : memref<32x128xf32, #tpu.memory_space<hbm>>) dst(%arg7 : memref<32x128xf32, #tpu.memory_space<vmem>>)
      %add3A_531 = arith.constant 1 : i32
      %add3A_532 = arith.addi %mul3A_446, %add3A_531 : i32
      %and3A_533 = arith.constant 127 : i32
      %and3A_534 = arith.andi %scan3A_438, %and3A_533 : i32
      %broadcast_in_dim3A_535 = vector.broadcast %and3A_534 : i32 to vector<16xi32>
      %gather3A_536 = tpu.vector_load_idx %arg7[%iota3A, %broadcast_in_dim3A_535] : memref<32x128xf32, #tpu.memory_space<vmem>>[vector<16xi32>, vector<16xi32>], vector<16xf32>,
      %add3A_537 = arith.constant 16 : i32
      %add3A_538 = vector.broadcast %add3A_537 : i32 to vector<16xi32>
      %add3A_539 = arith.addi %iota3A, %add3A_538 : vector<16xi32>
      %gather3A_540 = tpu.vector_load_idx %arg7[%add3A_539, %broadcast_in_dim3A_535] : memref<32x128xf32, #tpu.memory_space<vmem>>[vector<16xi32>, vector<16xi32>], vector<16xf32>,
      %swap3A_541 = arith.index_cast %add3A_532 : i32 to index
      %swap3A_542 = arith.constant 0 : index
      %swap3A_543 = tpu.vector_load %arg15[%swap3A_541, %swap3A_542] {strides = array<i32>} : memref<512x128xf32, #tpu.memory_space<vmem>>, vector<16xf32>,
      tpu.vector_store %arg15[%swap3A_541, %swap3A_542], %gather3A_536 {strides = array<i32>} : memref<512x128xf32, #tpu.memory_space<vmem>>, vector<16xf32>,
      %swap3A_544 = arith.index_cast %add3A_532 : i32 to index
      %swap3A_545 = arith.constant 16 : index
      %swap3A_546 = tpu.vector_load %arg15[%swap3A_544, %swap3A_545] {strides = array<i32>} : memref<512x128xf32, #tpu.memory_space<vmem>>, vector<16xf32>,
      tpu.vector_store %arg15[%swap3A_544, %swap3A_545], %gather3A_540 {strides = array<i32>} : memref<512x128xf32, #tpu.memory_space<vmem>>, vector<16xf32>,
      %add3A_547 = arith.constant 8 : i32
      %add3A_548 = arith.addi %mul3A_446, %add3A_547 : i32
      %add3A_549 = arith.constant 1 : i32
      %add3A_550 = arith.addi %add3A_548, %add3A_549 : i32
      %jit3A_551 = arith.constant 16 : i32
      %div3A_552 = arith.divsi %add3A_550, %jit3A_551 : i32
      %sign3A_553 = arith.constant 0 : i32
      %sign3A_554 = arith.cmpi sgt, %add3A_550, %sign3A_553 : i32
      %sign3A_555 = arith.extui %sign3A_554 : i1 to i32
      %sign3A_556 = arith.constant 0 : i32
      %sign3A_557 = arith.cmpi slt, %add3A_550, %sign3A_556 : i32
      %sign3A_558 = arith.extui %sign3A_557 : i1 to i32
      %sign3A_559 = arith.subi %sign3A_555, %sign3A_558 : i32
      %sign3A_560 = arith.constant 0 : i32
      %sign3A_561 = arith.cmpi sgt, %jit3A_551, %sign3A_560 : i32
      %sign3A_562 = arith.extui %sign3A_561 : i1 to i32
      %sign3A_563 = arith.constant 0 : i32
      %sign3A_564 = arith.cmpi slt, %jit3A_551, %sign3A_563 : i32
      %sign3A_565 = arith.extui %sign3A_564 : i1 to i32
      %sign3A_566 = arith.subi %sign3A_562, %sign3A_565 : i32
      %ne3A_567 = arith.cmpi ne, %sign3A_559, %sign3A_566 : i32
      %rem3A_568 = arith.remsi %add3A_550, %jit3A_551 : i32
      %ne3A_569 = arith.constant 0 : i32
      %ne3A_570 = arith.cmpi ne, %rem3A_568, %ne3A_569 : i32
      %and3A_571 = arith.andi %ne3A_567, %ne3A_570 : i1
      %sub3A_572 = arith.constant 1 : i32
      %sub3A_573 = arith.subi %div3A_552, %sub3A_572 : i32
      %select_n3A_574 = arith.select %and3A_571, %sub3A_573, %div3A_552 : i32
      %mul3A_575 = arith.constant 16 : i32
      %mul3A_576 = arith.muli %select_n3A_574, %mul3A_575 : i32
      %get3A_577 = arith.constant 0 : i32
      %get3A_578 = arith.index_cast %get3A_577 : i32 to index
      %get3A_579 = arith.index_cast %mul3A_576 : i32 to index
      %get3A_580 = tpu.vector_load %arg5[%get3A_578, %get3A_579] {strides = array<i32>} : memref<1x512xi32, #tpu.memory_space<vmem>>, vector<16xi32>,
      %rem3A_581 = arith.constant 16 : i32
      %rem3A_582 = arith.remsi %add3A_550, %rem3A_581 : i32
      %eq3A_583 = vector.broadcast %rem3A_582 : i32 to vector<16xi32>
      %eq3A_584 = arith.cmpi eq, %iota3A, %eq3A_583 : vector<16xi32>
      %jit3A_585 = arith.constant 0 : i32
      %broadcast_in_dim3A_586 = vector.broadcast %jit3A_585 : i32 to vector<16xi32>
      %select_n3A_587 = arith.select %eq3A_584, %get3A_580, %broadcast_in_dim3A_586 : vector<16xi1>, vector<16xi32>
      %reduce_max3A_588 = arith.constant true
      %reduce_max3A_589 = vector.broadcast %reduce_max3A_588 : i1 to vector<16xi1>
      %reduce_max3A_590 = arith.constant -2147483648 : i32
      %reduce_max3A_591 = vector.broadcast %reduce_max3A_590 : i32 to vector<16xi32>
      %reduce_max3A_592 = arith.xori %select_n3A_587, %reduce_max3A_591 : vector<16xi32>
      %reduce_max3A_593 = tpu.scan <max>, %reduce_max3A_592 masked %reduce_max3A_589 : vector<16xi32>, vector<16xi1> -> vector<16xi32>
      %reduce_max3A_594 = arith.xori %reduce_max3A_593, %reduce_max3A_591 : vector<16xi32>
      %reduce_max3A_595 = vector.extract %reduce_max3A_594[15] : i32 from vector<16xi32>
      %shift_right_logical3A_596 = arith.constant 7 : i32
      %shift_right_logical3A_597 = arith.shrui %reduce_max3A_595, %shift_right_logical3A_596 : i32
      %min3A_598 = arith.constant 7811 : i32
      %min3A_599 = arith.minsi %shift_right_logical3A_597, %min3A_598 : i32
      %mul3A_600 = arith.constant 128 : i32
      %mul3A_601 = arith.muli %min3A_599, %mul3A_600 : i32
      %multiple_of3A_602 = tpu.assume_multiple %mul3A_601, 128 : i32
      %dma_start3A_603 = arith.constant 0 : i32
      %dma_start3A_604 = tpu.memref_slice %arg3[%dma_start3A_603, %multiple_of3A_602] : memref<32x1000000xf32, #tpu.memory_space<hbm>> -> memref<32x128xf32, #tpu.memory_space<hbm>>
      %dma_start3A_605 = arith.constant 0 : i32
      %dma_start3A_606 = tpu.memref_slice %arg3[%dma_start3A_605, %multiple_of3A_602] : memref<32x1000000xf32, #tpu.memory_space<hbm>> -> memref<32x128xf32, #tpu.memory_space<hbm>>
      tpu.enqueue_dma source(%dma_start3A_606 : memref<32x128xf32, #tpu.memory_space<hbm>>) target(%arg7 : memref<32x128xf32, #tpu.memory_space<vmem>>) target_semaphore(%arg17 : memref<!tpu.dma_semaphore, #tpu.memory_space<semaphore_mem>>)
      %dma_wait3A_607 = arith.constant 0 : i32
      %dma_wait3A_608 = arith.constant 0 : i32
      %dma_wait3A_609 = tpu.memref_slice %arg3[%dma_wait3A_607, %dma_wait3A_608] : memref<32x1000000xf32, #tpu.memory_space<hbm>> -> memref<32x128xf32, #tpu.memory_space<hbm>>
      %dma_wait3A_610 = arith.constant 0 : i32
      %dma_wait3A_611 = arith.constant 0 : i32
      %dma_wait3A_612 = tpu.memref_slice %arg3[%dma_wait3A_610, %dma_wait3A_611] : memref<32x1000000xf32, #tpu.memory_space<hbm>> -> memref<32x128xf32, #tpu.memory_space<hbm>>
      tpu.wait_dma2 semaphore(%arg18 : memref<!tpu.dma_semaphore, #tpu.memory_space<semaphore_mem>>) src(%dma_wait3A_612 : memref<32x128xf32, #tpu.memory_space<hbm>>) dst(%arg8 : memref<32x128xf32, #tpu.memory_space<vmem>>)
      %add3A_613 = arith.constant 2 : i32
      %add3A_614 = arith.addi %mul3A_446, %add3A_613 : i32
      %and3A_615 = arith.constant 127 : i32
      %and3A_616 = arith.andi %scan3A_439, %and3A_615 : i32
      %broadcast_in_dim3A_617 = vector.broadcast %and3A_616 : i32 to vector<16xi32>
      %gather3A_618 = tpu.vector_load_idx %arg8[%iota3A, %broadcast_in_dim3A_617] : memref<32x128xf32, #tpu.memory_space<vmem>>[vector<16xi32>, vector<16xi32>], vector<16xf32>,
      %add3A_619 = arith.constant 16 : i32
      %add3A_620 = vector.broadcast %add3A_619 : i32 to vector<16xi32>
      %add3A_621 = arith.addi %iota3A, %add3A_620 : vector<16xi32>
      %gather3A_622 = tpu.vector_load_idx %arg8[%add3A_621, %broadcast_in_dim3A_617] : memref<32x128xf32, #tpu.memory_space<vmem>>[vector<16xi32>, vector<16xi32>], vector<16xf32>,
      %swap3A_623 = arith.index_cast %add3A_614 : i32 to index
      %swap3A_624 = arith.constant 0 : index
      %swap3A_625 = tpu.vector_load %arg15[%swap3A_623, %swap3A_624] {strides = array<i32>} : memref<512x128xf32, #tpu.memory_space<vmem>>, vector<16xf32>,
      tpu.vector_store %arg15[%swap3A_623, %swap3A_624], %gather3A_618 {strides = array<i32>} : memref<512x128xf32, #tpu.memory_space<vmem>>, vector<16xf32>,
      %swap3A_626 = arith.index_cast %add3A_614 : i32 to index
      %swap3A_627 = arith.constant 16 : index
      %swap3A_628 = tpu.vector_load %arg15[%swap3A_626, %swap3A_627] {strides = array<i32>} : memref<512x128xf32, #tpu.memory_space<vmem>>, vector<16xf32>,
      tpu.vector_store %arg15[%swap3A_626, %swap3A_627], %gather3A_622 {strides = array<i32>} : memref<512x128xf32, #tpu.memory_space<vmem>>, vector<16xf32>,
      %add3A_629 = arith.constant 8 : i32
      %add3A_630 = arith.addi %mul3A_446, %add3A_629 : i32
      %add3A_631 = arith.constant 2 : i32
      %add3A_632 = arith.addi %add3A_630, %add3A_631 : i32
      %jit3A_633 = arith.constant 16 : i32
      %div3A_634 = arith.divsi %add3A_632, %jit3A_633 : i32
      %sign3A_635 = arith.constant 0 : i32
      %sign3A_636 = arith.cmpi sgt, %add3A_632, %sign3A_635 : i32
      %sign3A_637 = arith.extui %sign3A_636 : i1 to i32
      %sign3A_638 = arith.constant 0 : i32
      %sign3A_639 = arith.cmpi slt, %add3A_632, %sign3A_638 : i32
      %sign3A_640 = arith.extui %sign3A_639 : i1 to i32
      %sign3A_641 = arith.subi %sign3A_637, %sign3A_640 : i32
      %sign3A_642 = arith.constant 0 : i32
      %sign3A_643 = arith.cmpi sgt, %jit3A_633, %sign3A_642 : i32
      %sign3A_644 = arith.extui %sign3A_643 : i1 to i32
      %sign3A_645 = arith.constant 0 : i32
      %sign3A_646 = arith.cmpi slt, %jit3A_633, %sign3A_645 : i32
      %sign3A_647 = arith.extui %sign3A_646 : i1 to i32
      %sign3A_648 = arith.subi %sign3A_644, %sign3A_647 : i32
      %ne3A_649 = arith.cmpi ne, %sign3A_641, %sign3A_648 : i32
      %rem3A_650 = arith.remsi %add3A_632, %jit3A_633 : i32
      %ne3A_651 = arith.constant 0 : i32
      %ne3A_652 = arith.cmpi ne, %rem3A_650, %ne3A_651 : i32
      %and3A_653 = arith.andi %ne3A_649, %ne3A_652 : i1
      %sub3A_654 = arith.constant 1 : i32
      %sub3A_655 = arith.subi %div3A_634, %sub3A_654 : i32
      %select_n3A_656 = arith.select %and3A_653, %sub3A_655, %div3A_634 : i32
      %mul3A_657 = arith.constant 16 : i32
      %mul3A_658 = arith.muli %select_n3A_656, %mul3A_657 : i32
      %get3A_659 = arith.constant 0 : i32
      %get3A_660 = arith.index_cast %get3A_659 : i32 to index
      %get3A_661 = arith.index_cast %mul3A_658 : i32 to index
      %get3A_662 = tpu.vector_load %arg5[%get3A_660, %get3A_661] {strides = array<i32>} : memref<1x512xi32, #tpu.memory_space<vmem>>, vector<16xi32>,
      %rem3A_663 = arith.constant 16 : i32
      %rem3A_664 = arith.remsi %add3A_632, %rem3A_663 : i32
      %eq3A_665 = vector.broadcast %rem3A_664 : i32 to vector<16xi32>
      %eq3A_666 = arith.cmpi eq, %iota3A, %eq3A_665 : vector<16xi32>
      %jit3A_667 = arith.constant 0 : i32
      %broadcast_in_dim3A_668 = vector.broadcast %jit3A_667 : i32 to vector<16xi32>
      %select_n3A_669 = arith.select %eq3A_666, %get3A_662, %broadcast_in_dim3A_668 : vector<16xi1>, vector<16xi32>
      %reduce_max3A_670 = arith.constant true
      %reduce_max3A_671 = vector.broadcast %reduce_max3A_670 : i1 to vector<16xi1>
      %reduce_max3A_672 = arith.constant -2147483648 : i32
      %reduce_max3A_673 = vector.broadcast %reduce_max3A_672 : i32 to vector<16xi32>
      %reduce_max3A_674 = arith.xori %select_n3A_669, %reduce_max3A_673 : vector<16xi32>
      %reduce_max3A_675 = tpu.scan <max>, %reduce_max3A_674 masked %reduce_max3A_671 : vector<16xi32>, vector<16xi1> -> vector<16xi32>
      %reduce_max3A_676 = arith.xori %reduce_max3A_675, %reduce_max3A_673 : vector<16xi32>
      %reduce_max3A_677 = vector.extract %reduce_max3A_676[15] : i32 from vector<16xi32>
      %shift_right_logical3A_678 = arith.constant 7 : i32
      %shift_right_logical3A_679 = arith.shrui %reduce_max3A_677, %shift_right_logical3A_678 : i32
      %min3A_680 = arith.constant 7811 : i32
      %min3A_681 = arith.minsi %shift_right_logical3A_679, %min3A_680 : i32
      %mul3A_682 = arith.constant 128 : i32
      %mul3A_683 = arith.muli %min3A_681, %mul3A_682 : i32
      %multiple_of3A_684 = tpu.assume_multiple %mul3A_683, 128 : i32
      %dma_start3A_685 = arith.constant 0 : i32
      %dma_start3A_686 = tpu.memref_slice %arg3[%dma_start3A_685, %multiple_of3A_684] : memref<32x1000000xf32, #tpu.memory_space<hbm>> -> memref<32x128xf32, #tpu.memory_space<hbm>>
      %dma_start3A_687 = arith.constant 0 : i32
      %dma_start3A_688 = tpu.memref_slice %arg3[%dma_start3A_687, %multiple_of3A_684] : memref<32x1000000xf32, #tpu.memory_space<hbm>> -> memref<32x128xf32, #tpu.memory_space<hbm>>
      tpu.enqueue_dma source(%dma_start3A_688 : memref<32x128xf32, #tpu.memory_space<hbm>>) target(%arg8 : memref<32x128xf32, #tpu.memory_space<vmem>>) target_semaphore(%arg18 : memref<!tpu.dma_semaphore, #tpu.memory_space<semaphore_mem>>)
      %dma_wait3A_689 = arith.constant 0 : i32
      %dma_wait3A_690 = arith.constant 0 : i32
      %dma_wait3A_691 = tpu.memref_slice %arg3[%dma_wait3A_689, %dma_wait3A_690] : memref<32x1000000xf32, #tpu.memory_space<hbm>> -> memref<32x128xf32, #tpu.memory_space<hbm>>
      %dma_wait3A_692 = arith.constant 0 : i32
      %dma_wait3A_693 = arith.constant 0 : i32
      %dma_wait3A_694 = tpu.memref_slice %arg3[%dma_wait3A_692, %dma_wait3A_693] : memref<32x1000000xf32, #tpu.memory_space<hbm>> -> memref<32x128xf32, #tpu.memory_space<hbm>>
      tpu.wait_dma2 semaphore(%arg19 : memref<!tpu.dma_semaphore, #tpu.memory_space<semaphore_mem>>) src(%dma_wait3A_694 : memref<32x128xf32, #tpu.memory_space<hbm>>) dst(%arg9 : memref<32x128xf32, #tpu.memory_space<vmem>>)
      %add3A_695 = arith.constant 3 : i32
      %add3A_696 = arith.addi %mul3A_446, %add3A_695 : i32
      %and3A_697 = arith.constant 127 : i32
      %and3A_698 = arith.andi %scan3A_440, %and3A_697 : i32
      %broadcast_in_dim3A_699 = vector.broadcast %and3A_698 : i32 to vector<16xi32>
      %gather3A_700 = tpu.vector_load_idx %arg9[%iota3A, %broadcast_in_dim3A_699] : memref<32x128xf32, #tpu.memory_space<vmem>>[vector<16xi32>, vector<16xi32>], vector<16xf32>,
      %add3A_701 = arith.constant 16 : i32
      %add3A_702 = vector.broadcast %add3A_701 : i32 to vector<16xi32>
      %add3A_703 = arith.addi %iota3A, %add3A_702 : vector<16xi32>
      %gather3A_704 = tpu.vector_load_idx %arg9[%add3A_703, %broadcast_in_dim3A_699] : memref<32x128xf32, #tpu.memory_space<vmem>>[vector<16xi32>, vector<16xi32>], vector<16xf32>,
      %swap3A_705 = arith.index_cast %add3A_696 : i32 to index
      %swap3A_706 = arith.constant 0 : index
      %swap3A_707 = tpu.vector_load %arg15[%swap3A_705, %swap3A_706] {strides = array<i32>} : memref<512x128xf32, #tpu.memory_space<vmem>>, vector<16xf32>,
      tpu.vector_store %arg15[%swap3A_705, %swap3A_706], %gather3A_700 {strides = array<i32>} : memref<512x128xf32, #tpu.memory_space<vmem>>, vector<16xf32>,
      %swap3A_708 = arith.index_cast %add3A_696 : i32 to index
      %swap3A_709 = arith.constant 16 : index
      %swap3A_710 = tpu.vector_load %arg15[%swap3A_708, %swap3A_709] {strides = array<i32>} : memref<512x128xf32, #tpu.memory_space<vmem>>, vector<16xf32>,
      tpu.vector_store %arg15[%swap3A_708, %swap3A_709], %gather3A_704 {strides = array<i32>} : memref<512x128xf32, #tpu.memory_space<vmem>>, vector<16xf32>,
      %add3A_711 = arith.constant 8 : i32
      %add3A_712 = arith.addi %mul3A_446, %add3A_711 : i32
      %add3A_713 = arith.constant 3 : i32
      %add3A_714 = arith.addi %add3A_712, %add3A_713 : i32
      %jit3A_715 = arith.constant 16 : i32
      %div3A_716 = arith.divsi %add3A_714, %jit3A_715 : i32
      %sign3A_717 = arith.constant 0 : i32
      %sign3A_718 = arith.cmpi sgt, %add3A_714, %sign3A_717 : i32
      %sign3A_719 = arith.extui %sign3A_718 : i1 to i32
      %sign3A_720 = arith.constant 0 : i32
      %sign3A_721 = arith.cmpi slt, %add3A_714, %sign3A_720 : i32
      %sign3A_722 = arith.extui %sign3A_721 : i1 to i32
      %sign3A_723 = arith.subi %sign3A_719, %sign3A_722 : i32
      %sign3A_724 = arith.constant 0 : i32
      %sign3A_725 = arith.cmpi sgt, %jit3A_715, %sign3A_724 : i32
      %sign3A_726 = arith.extui %sign3A_725 : i1 to i32
      %sign3A_727 = arith.constant 0 : i32
      %sign3A_728 = arith.cmpi slt, %jit3A_715, %sign3A_727 : i32
      %sign3A_729 = arith.extui %sign3A_728 : i1 to i32
      %sign3A_730 = arith.subi %sign3A_726, %sign3A_729 : i32
      %ne3A_731 = arith.cmpi ne, %sign3A_723, %sign3A_730 : i32
      %rem3A_732 = arith.remsi %add3A_714, %jit3A_715 : i32
      %ne3A_733 = arith.constant 0 : i32
      %ne3A_734 = arith.cmpi ne, %rem3A_732, %ne3A_733 : i32
      %and3A_735 = arith.andi %ne3A_731, %ne3A_734 : i1
      %sub3A_736 = arith.constant 1 : i32
      %sub3A_737 = arith.subi %div3A_716, %sub3A_736 : i32
      %select_n3A_738 = arith.select %and3A_735, %sub3A_737, %div3A_716 : i32
      %mul3A_739 = arith.constant 16 : i32
      %mul3A_740 = arith.muli %select_n3A_738, %mul3A_739 : i32
      %get3A_741 = arith.constant 0 : i32
      %get3A_742 = arith.index_cast %get3A_741 : i32 to index
      %get3A_743 = arith.index_cast %mul3A_740 : i32 to index
      %get3A_744 = tpu.vector_load %arg5[%get3A_742, %get3A_743] {strides = array<i32>} : memref<1x512xi32, #tpu.memory_space<vmem>>, vector<16xi32>,
      %rem3A_745 = arith.constant 16 : i32
      %rem3A_746 = arith.remsi %add3A_714, %rem3A_745 : i32
      %eq3A_747 = vector.broadcast %rem3A_746 : i32 to vector<16xi32>
      %eq3A_748 = arith.cmpi eq, %iota3A, %eq3A_747 : vector<16xi32>
      %jit3A_749 = arith.constant 0 : i32
      %broadcast_in_dim3A_750 = vector.broadcast %jit3A_749 : i32 to vector<16xi32>
      %select_n3A_751 = arith.select %eq3A_748, %get3A_744, %broadcast_in_dim3A_750 : vector<16xi1>, vector<16xi32>
      %reduce_max3A_752 = arith.constant true
      %reduce_max3A_753 = vector.broadcast %reduce_max3A_752 : i1 to vector<16xi1>
      %reduce_max3A_754 = arith.constant -2147483648 : i32
      %reduce_max3A_755 = vector.broadcast %reduce_max3A_754 : i32 to vector<16xi32>
      %reduce_max3A_756 = arith.xori %select_n3A_751, %reduce_max3A_755 : vector<16xi32>
      %reduce_max3A_757 = tpu.scan <max>, %reduce_max3A_756 masked %reduce_max3A_753 : vector<16xi32>, vector<16xi1> -> vector<16xi32>
      %reduce_max3A_758 = arith.xori %reduce_max3A_757, %reduce_max3A_755 : vector<16xi32>
      %reduce_max3A_759 = vector.extract %reduce_max3A_758[15] : i32 from vector<16xi32>
      %shift_right_logical3A_760 = arith.constant 7 : i32
      %shift_right_logical3A_761 = arith.shrui %reduce_max3A_759, %shift_right_logical3A_760 : i32
      %min3A_762 = arith.constant 7811 : i32
      %min3A_763 = arith.minsi %shift_right_logical3A_761, %min3A_762 : i32
      %mul3A_764 = arith.constant 128 : i32
      %mul3A_765 = arith.muli %min3A_763, %mul3A_764 : i32
      %multiple_of3A_766 = tpu.assume_multiple %mul3A_765, 128 : i32
      %dma_start3A_767 = arith.constant 0 : i32
      %dma_start3A_768 = tpu.memref_slice %arg3[%dma_start3A_767, %multiple_of3A_766] : memref<32x1000000xf32, #tpu.memory_space<hbm>> -> memref<32x128xf32, #tpu.memory_space<hbm>>
      %dma_start3A_769 = arith.constant 0 : i32
      %dma_start3A_770 = tpu.memref_slice %arg3[%dma_start3A_769, %multiple_of3A_766] : memref<32x1000000xf32, #tpu.memory_space<hbm>> -> memref<32x128xf32, #tpu.memory_space<hbm>>
      tpu.enqueue_dma source(%dma_start3A_770 : memref<32x128xf32, #tpu.memory_space<hbm>>) target(%arg9 : memref<32x128xf32, #tpu.memory_space<vmem>>) target_semaphore(%arg19 : memref<!tpu.dma_semaphore, #tpu.memory_space<semaphore_mem>>)
      %dma_wait3A_771 = arith.constant 0 : i32
      %dma_wait3A_772 = arith.constant 0 : i32
      %dma_wait3A_773 = tpu.memref_slice %arg3[%dma_wait3A_771, %dma_wait3A_772] : memref<32x1000000xf32, #tpu.memory_space<hbm>> -> memref<32x128xf32, #tpu.memory_space<hbm>>
      %dma_wait3A_774 = arith.constant 0 : i32
      %dma_wait3A_775 = arith.constant 0 : i32
      %dma_wait3A_776 = tpu.memref_slice %arg3[%dma_wait3A_774, %dma_wait3A_775] : memref<32x1000000xf32, #tpu.memory_space<hbm>> -> memref<32x128xf32, #tpu.memory_space<hbm>>
      tpu.wait_dma2 semaphore(%arg20 : memref<!tpu.dma_semaphore, #tpu.memory_space<semaphore_mem>>) src(%dma_wait3A_776 : memref<32x128xf32, #tpu.memory_space<hbm>>) dst(%arg10 : memref<32x128xf32, #tpu.memory_space<vmem>>)
      %add3A_777 = arith.constant 4 : i32
      %add3A_778 = arith.addi %mul3A_446, %add3A_777 : i32
      %and3A_779 = arith.constant 127 : i32
      %and3A_780 = arith.andi %scan3A_441, %and3A_779 : i32
      %broadcast_in_dim3A_781 = vector.broadcast %and3A_780 : i32 to vector<16xi32>
      %gather3A_782 = tpu.vector_load_idx %arg10[%iota3A, %broadcast_in_dim3A_781] : memref<32x128xf32, #tpu.memory_space<vmem>>[vector<16xi32>, vector<16xi32>], vector<16xf32>,
      %add3A_783 = arith.constant 16 : i32
      %add3A_784 = vector.broadcast %add3A_783 : i32 to vector<16xi32>
      %add3A_785 = arith.addi %iota3A, %add3A_784 : vector<16xi32>
      %gather3A_786 = tpu.vector_load_idx %arg10[%add3A_785, %broadcast_in_dim3A_781] : memref<32x128xf32, #tpu.memory_space<vmem>>[vector<16xi32>, vector<16xi32>], vector<16xf32>,
      %swap3A_787 = arith.index_cast %add3A_778 : i32 to index
      %swap3A_788 = arith.constant 0 : index
      %swap3A_789 = tpu.vector_load %arg15[%swap3A_787, %swap3A_788] {strides = array<i32>} : memref<512x128xf32, #tpu.memory_space<vmem>>, vector<16xf32>,
      tpu.vector_store %arg15[%swap3A_787, %swap3A_788], %gather3A_782 {strides = array<i32>} : memref<512x128xf32, #tpu.memory_space<vmem>>, vector<16xf32>,
      %swap3A_790 = arith.index_cast %add3A_778 : i32 to index
      %swap3A_791 = arith.constant 16 : index
      %swap3A_792 = tpu.vector_load %arg15[%swap3A_790, %swap3A_791] {strides = array<i32>} : memref<512x128xf32, #tpu.memory_space<vmem>>, vector<16xf32>,
      tpu.vector_store %arg15[%swap3A_790, %swap3A_791], %gather3A_786 {strides = array<i32>} : memref<512x128xf32, #tpu.memory_space<vmem>>, vector<16xf32>,
      %add3A_793 = arith.constant 8 : i32
      %add3A_794 = arith.addi %mul3A_446, %add3A_793 : i32
      %add3A_795 = arith.constant 4 : i32
      %add3A_796 = arith.addi %add3A_794, %add3A_795 : i32
      %jit3A_797 = arith.constant 16 : i32
      %div3A_798 = arith.divsi %add3A_796, %jit3A_797 : i32
      %sign3A_799 = arith.constant 0 : i32
      %sign3A_800 = arith.cmpi sgt, %add3A_796, %sign3A_799 : i32
      %sign3A_801 = arith.extui %sign3A_800 : i1 to i32
      %sign3A_802 = arith.constant 0 : i32
      %sign3A_803 = arith.cmpi slt, %add3A_796, %sign3A_802 : i32
      %sign3A_804 = arith.extui %sign3A_803 : i1 to i32
      %sign3A_805 = arith.subi %sign3A_801, %sign3A_804 : i32
      %sign3A_806 = arith.constant 0 : i32
      %sign3A_807 = arith.cmpi sgt, %jit3A_797, %sign3A_806 : i32
      %sign3A_808 = arith.extui %sign3A_807 : i1 to i32
      %sign3A_809 = arith.constant 0 : i32
      %sign3A_810 = arith.cmpi slt, %jit3A_797, %sign3A_809 : i32
      %sign3A_811 = arith.extui %sign3A_810 : i1 to i32
      %sign3A_812 = arith.subi %sign3A_808, %sign3A_811 : i32
      %ne3A_813 = arith.cmpi ne, %sign3A_805, %sign3A_812 : i32
      %rem3A_814 = arith.remsi %add3A_796, %jit3A_797 : i32
      %ne3A_815 = arith.constant 0 : i32
      %ne3A_816 = arith.cmpi ne, %rem3A_814, %ne3A_815 : i32
      %and3A_817 = arith.andi %ne3A_813, %ne3A_816 : i1
      %sub3A_818 = arith.constant 1 : i32
      %sub3A_819 = arith.subi %div3A_798, %sub3A_818 : i32
      %select_n3A_820 = arith.select %and3A_817, %sub3A_819, %div3A_798 : i32
      %mul3A_821 = arith.constant 16 : i32
      %mul3A_822 = arith.muli %select_n3A_820, %mul3A_821 : i32
      %get3A_823 = arith.constant 0 : i32
      %get3A_824 = arith.index_cast %get3A_823 : i32 to index
      %get3A_825 = arith.index_cast %mul3A_822 : i32 to index
      %get3A_826 = tpu.vector_load %arg5[%get3A_824, %get3A_825] {strides = array<i32>} : memref<1x512xi32, #tpu.memory_space<vmem>>, vector<16xi32>,
      %rem3A_827 = arith.constant 16 : i32
      %rem3A_828 = arith.remsi %add3A_796, %rem3A_827 : i32
      %eq3A_829 = vector.broadcast %rem3A_828 : i32 to vector<16xi32>
      %eq3A_830 = arith.cmpi eq, %iota3A, %eq3A_829 : vector<16xi32>
      %jit3A_831 = arith.constant 0 : i32
      %broadcast_in_dim3A_832 = vector.broadcast %jit3A_831 : i32 to vector<16xi32>
      %select_n3A_833 = arith.select %eq3A_830, %get3A_826, %broadcast_in_dim3A_832 : vector<16xi1>, vector<16xi32>
      %reduce_max3A_834 = arith.constant true
      %reduce_max3A_835 = vector.broadcast %reduce_max3A_834 : i1 to vector<16xi1>
      %reduce_max3A_836 = arith.constant -2147483648 : i32
      %reduce_max3A_837 = vector.broadcast %reduce_max3A_836 : i32 to vector<16xi32>
      %reduce_max3A_838 = arith.xori %select_n3A_833, %reduce_max3A_837 : vector<16xi32>
      %reduce_max3A_839 = tpu.scan <max>, %reduce_max3A_838 masked %reduce_max3A_835 : vector<16xi32>, vector<16xi1> -> vector<16xi32>
      %reduce_max3A_840 = arith.xori %reduce_max3A_839, %reduce_max3A_837 : vector<16xi32>
      %reduce_max3A_841 = vector.extract %reduce_max3A_840[15] : i32 from vector<16xi32>
      %shift_right_logical3A_842 = arith.constant 7 : i32
      %shift_right_logical3A_843 = arith.shrui %reduce_max3A_841, %shift_right_logical3A_842 : i32
      %min3A_844 = arith.constant 7811 : i32
      %min3A_845 = arith.minsi %shift_right_logical3A_843, %min3A_844 : i32
      %mul3A_846 = arith.constant 128 : i32
      %mul3A_847 = arith.muli %min3A_845, %mul3A_846 : i32
      %multiple_of3A_848 = tpu.assume_multiple %mul3A_847, 128 : i32
      %dma_start3A_849 = arith.constant 0 : i32
      %dma_start3A_850 = tpu.memref_slice %arg3[%dma_start3A_849, %multiple_of3A_848] : memref<32x1000000xf32, #tpu.memory_space<hbm>> -> memref<32x128xf32, #tpu.memory_space<hbm>>
      %dma_start3A_851 = arith.constant 0 : i32
      %dma_start3A_852 = tpu.memref_slice %arg3[%dma_start3A_851, %multiple_of3A_848] : memref<32x1000000xf32, #tpu.memory_space<hbm>> -> memref<32x128xf32, #tpu.memory_space<hbm>>
      tpu.enqueue_dma source(%dma_start3A_852 : memref<32x128xf32, #tpu.memory_space<hbm>>) target(%arg10 : memref<32x128xf32, #tpu.memory_space<vmem>>) target_semaphore(%arg20 : memref<!tpu.dma_semaphore, #tpu.memory_space<semaphore_mem>>)
      %dma_wait3A_853 = arith.constant 0 : i32
      %dma_wait3A_854 = arith.constant 0 : i32
      %dma_wait3A_855 = tpu.memref_slice %arg3[%dma_wait3A_853, %dma_wait3A_854] : memref<32x1000000xf32, #tpu.memory_space<hbm>> -> memref<32x128xf32, #tpu.memory_space<hbm>>
      %dma_wait3A_856 = arith.constant 0 : i32
      %dma_wait3A_857 = arith.constant 0 : i32
      %dma_wait3A_858 = tpu.memref_slice %arg3[%dma_wait3A_856, %dma_wait3A_857] : memref<32x1000000xf32, #tpu.memory_space<hbm>> -> memref<32x128xf32, #tpu.memory_space<hbm>>
      tpu.wait_dma2 semaphore(%arg21 : memref<!tpu.dma_semaphore, #tpu.memory_space<semaphore_mem>>) src(%dma_wait3A_858 : memref<32x128xf32, #tpu.memory_space<hbm>>) dst(%arg11 : memref<32x128xf32, #tpu.memory_space<vmem>>)
      %add3A_859 = arith.constant 5 : i32
      %add3A_860 = arith.addi %mul3A_446, %add3A_859 : i32
      %and3A_861 = arith.constant 127 : i32
      %and3A_862 = arith.andi %scan3A_442, %and3A_861 : i32
      %broadcast_in_dim3A_863 = vector.broadcast %and3A_862 : i32 to vector<16xi32>
      %gather3A_864 = tpu.vector_load_idx %arg11[%iota3A, %broadcast_in_dim3A_863] : memref<32x128xf32, #tpu.memory_space<vmem>>[vector<16xi32>, vector<16xi32>], vector<16xf32>,
      %add3A_865 = arith.constant 16 : i32
      %add3A_866 = vector.broadcast %add3A_865 : i32 to vector<16xi32>
      %add3A_867 = arith.addi %iota3A, %add3A_866 : vector<16xi32>
      %gather3A_868 = tpu.vector_load_idx %arg11[%add3A_867, %broadcast_in_dim3A_863] : memref<32x128xf32, #tpu.memory_space<vmem>>[vector<16xi32>, vector<16xi32>], vector<16xf32>,
      %swap3A_869 = arith.index_cast %add3A_860 : i32 to index
      %swap3A_870 = arith.constant 0 : index
      %swap3A_871 = tpu.vector_load %arg15[%swap3A_869, %swap3A_870] {strides = array<i32>} : memref<512x128xf32, #tpu.memory_space<vmem>>, vector<16xf32>,
      tpu.vector_store %arg15[%swap3A_869, %swap3A_870], %gather3A_864 {strides = array<i32>} : memref<512x128xf32, #tpu.memory_space<vmem>>, vector<16xf32>,
      %swap3A_872 = arith.index_cast %add3A_860 : i32 to index
      %swap3A_873 = arith.constant 16 : index
      %swap3A_874 = tpu.vector_load %arg15[%swap3A_872, %swap3A_873] {strides = array<i32>} : memref<512x128xf32, #tpu.memory_space<vmem>>, vector<16xf32>,
      tpu.vector_store %arg15[%swap3A_872, %swap3A_873], %gather3A_868 {strides = array<i32>} : memref<512x128xf32, #tpu.memory_space<vmem>>, vector<16xf32>,
      %add3A_875 = arith.constant 8 : i32
      %add3A_876 = arith.addi %mul3A_446, %add3A_875 : i32
      %add3A_877 = arith.constant 5 : i32
      %add3A_878 = arith.addi %add3A_876, %add3A_877 : i32
      %jit3A_879 = arith.constant 16 : i32
      %div3A_880 = arith.divsi %add3A_878, %jit3A_879 : i32
      %sign3A_881 = arith.constant 0 : i32
      %sign3A_882 = arith.cmpi sgt, %add3A_878, %sign3A_881 : i32
      %sign3A_883 = arith.extui %sign3A_882 : i1 to i32
      %sign3A_884 = arith.constant 0 : i32
      %sign3A_885 = arith.cmpi slt, %add3A_878, %sign3A_884 : i32
      %sign3A_886 = arith.extui %sign3A_885 : i1 to i32
      %sign3A_887 = arith.subi %sign3A_883, %sign3A_886 : i32
      %sign3A_888 = arith.constant 0 : i32
      %sign3A_889 = arith.cmpi sgt, %jit3A_879, %sign3A_888 : i32
      %sign3A_890 = arith.extui %sign3A_889 : i1 to i32
      %sign3A_891 = arith.constant 0 : i32
      %sign3A_892 = arith.cmpi slt, %jit3A_879, %sign3A_891 : i32
      %sign3A_893 = arith.extui %sign3A_892 : i1 to i32
      %sign3A_894 = arith.subi %sign3A_890, %sign3A_893 : i32
      %ne3A_895 = arith.cmpi ne, %sign3A_887, %sign3A_894 : i32
      %rem3A_896 = arith.remsi %add3A_878, %jit3A_879 : i32
      %ne3A_897 = arith.constant 0 : i32
      %ne3A_898 = arith.cmpi ne, %rem3A_896, %ne3A_897 : i32
      %and3A_899 = arith.andi %ne3A_895, %ne3A_898 : i1
      %sub3A_900 = arith.constant 1 : i32
      %sub3A_901 = arith.subi %div3A_880, %sub3A_900 : i32
      %select_n3A_902 = arith.select %and3A_899, %sub3A_901, %div3A_880 : i32
      %mul3A_903 = arith.constant 16 : i32
      %mul3A_904 = arith.muli %select_n3A_902, %mul3A_903 : i32
      %get3A_905 = arith.constant 0 : i32
      %get3A_906 = arith.index_cast %get3A_905 : i32 to index
      %get3A_907 = arith.index_cast %mul3A_904 : i32 to index
      %get3A_908 = tpu.vector_load %arg5[%get3A_906, %get3A_907] {strides = array<i32>} : memref<1x512xi32, #tpu.memory_space<vmem>>, vector<16xi32>,
      %rem3A_909 = arith.constant 16 : i32
      %rem3A_910 = arith.remsi %add3A_878, %rem3A_909 : i32
      %eq3A_911 = vector.broadcast %rem3A_910 : i32 to vector<16xi32>
      %eq3A_912 = arith.cmpi eq, %iota3A, %eq3A_911 : vector<16xi32>
      %jit3A_913 = arith.constant 0 : i32
      %broadcast_in_dim3A_914 = vector.broadcast %jit3A_913 : i32 to vector<16xi32>
      %select_n3A_915 = arith.select %eq3A_912, %get3A_908, %broadcast_in_dim3A_914 : vector<16xi1>, vector<16xi32>
      %reduce_max3A_916 = arith.constant true
      %reduce_max3A_917 = vector.broadcast %reduce_max3A_916 : i1 to vector<16xi1>
      %reduce_max3A_918 = arith.constant -2147483648 : i32
      %reduce_max3A_919 = vector.broadcast %reduce_max3A_918 : i32 to vector<16xi32>
      %reduce_max3A_920 = arith.xori %select_n3A_915, %reduce_max3A_919 : vector<16xi32>
      %reduce_max3A_921 = tpu.scan <max>, %reduce_max3A_920 masked %reduce_max3A_917 : vector<16xi32>, vector<16xi1> -> vector<16xi32>
      %reduce_max3A_922 = arith.xori %reduce_max3A_921, %reduce_max3A_919 : vector<16xi32>
      %reduce_max3A_923 = vector.extract %reduce_max3A_922[15] : i32 from vector<16xi32>
      %shift_right_logical3A_924 = arith.constant 7 : i32
      %shift_right_logical3A_925 = arith.shrui %reduce_max3A_923, %shift_right_logical3A_924 : i32
      %min3A_926 = arith.constant 7811 : i32
      %min3A_927 = arith.minsi %shift_right_logical3A_925, %min3A_926 : i32
      %mul3A_928 = arith.constant 128 : i32
      %mul3A_929 = arith.muli %min3A_927, %mul3A_928 : i32
      %multiple_of3A_930 = tpu.assume_multiple %mul3A_929, 128 : i32
      %dma_start3A_931 = arith.constant 0 : i32
      %dma_start3A_932 = tpu.memref_slice %arg3[%dma_start3A_931, %multiple_of3A_930] : memref<32x1000000xf32, #tpu.memory_space<hbm>> -> memref<32x128xf32, #tpu.memory_space<hbm>>
      %dma_start3A_933 = arith.constant 0 : i32
      %dma_start3A_934 = tpu.memref_slice %arg3[%dma_start3A_933, %multiple_of3A_930] : memref<32x1000000xf32, #tpu.memory_space<hbm>> -> memref<32x128xf32, #tpu.memory_space<hbm>>
      tpu.enqueue_dma source(%dma_start3A_934 : memref<32x128xf32, #tpu.memory_space<hbm>>) target(%arg11 : memref<32x128xf32, #tpu.memory_space<vmem>>) target_semaphore(%arg21 : memref<!tpu.dma_semaphore, #tpu.memory_space<semaphore_mem>>)
      %dma_wait3A_935 = arith.constant 0 : i32
      %dma_wait3A_936 = arith.constant 0 : i32
      %dma_wait3A_937 = tpu.memref_slice %arg3[%dma_wait3A_935, %dma_wait3A_936] : memref<32x1000000xf32, #tpu.memory_space<hbm>> -> memref<32x128xf32, #tpu.memory_space<hbm>>
      %dma_wait3A_938 = arith.constant 0 : i32
      %dma_wait3A_939 = arith.constant 0 : i32
      %dma_wait3A_940 = tpu.memref_slice %arg3[%dma_wait3A_938, %dma_wait3A_939] : memref<32x1000000xf32, #tpu.memory_space<hbm>> -> memref<32x128xf32, #tpu.memory_space<hbm>>
      tpu.wait_dma2 semaphore(%arg22 : memref<!tpu.dma_semaphore, #tpu.memory_space<semaphore_mem>>) src(%dma_wait3A_940 : memref<32x128xf32, #tpu.memory_space<hbm>>) dst(%arg12 : memref<32x128xf32, #tpu.memory_space<vmem>>)
      %add3A_941 = arith.constant 6 : i32
      %add3A_942 = arith.addi %mul3A_446, %add3A_941 : i32
      %and3A_943 = arith.constant 127 : i32
      %and3A_944 = arith.andi %scan3A_443, %and3A_943 : i32
      %broadcast_in_dim3A_945 = vector.broadcast %and3A_944 : i32 to vector<16xi32>
      %gather3A_946 = tpu.vector_load_idx %arg12[%iota3A, %broadcast_in_dim3A_945] : memref<32x128xf32, #tpu.memory_space<vmem>>[vector<16xi32>, vector<16xi32>], vector<16xf32>,
      %add3A_947 = arith.constant 16 : i32
      %add3A_948 = vector.broadcast %add3A_947 : i32 to vector<16xi32>
      %add3A_949 = arith.addi %iota3A, %add3A_948 : vector<16xi32>
      %gather3A_950 = tpu.vector_load_idx %arg12[%add3A_949, %broadcast_in_dim3A_945] : memref<32x128xf32, #tpu.memory_space<vmem>>[vector<16xi32>, vector<16xi32>], vector<16xf32>,
      %swap3A_951 = arith.index_cast %add3A_942 : i32 to index
      %swap3A_952 = arith.constant 0 : index
      %swap3A_953 = tpu.vector_load %arg15[%swap3A_951, %swap3A_952] {strides = array<i32>} : memref<512x128xf32, #tpu.memory_space<vmem>>, vector<16xf32>,
      tpu.vector_store %arg15[%swap3A_951, %swap3A_952], %gather3A_946 {strides = array<i32>} : memref<512x128xf32, #tpu.memory_space<vmem>>, vector<16xf32>,
      %swap3A_954 = arith.index_cast %add3A_942 : i32 to index
      %swap3A_955 = arith.constant 16 : index
      %swap3A_956 = tpu.vector_load %arg15[%swap3A_954, %swap3A_955] {strides = array<i32>} : memref<512x128xf32, #tpu.memory_space<vmem>>, vector<16xf32>,
      tpu.vector_store %arg15[%swap3A_954, %swap3A_955], %gather3A_950 {strides = array<i32>} : memref<512x128xf32, #tpu.memory_space<vmem>>, vector<16xf32>,
      %add3A_957 = arith.constant 8 : i32
      %add3A_958 = arith.addi %mul3A_446, %add3A_957 : i32
      %add3A_959 = arith.constant 6 : i32
      %add3A_960 = arith.addi %add3A_958, %add3A_959 : i32
      %jit3A_961 = arith.constant 16 : i32
      %div3A_962 = arith.divsi %add3A_960, %jit3A_961 : i32
      %sign3A_963 = arith.constant 0 : i32
      %sign3A_964 = arith.cmpi sgt, %add3A_960, %sign3A_963 : i32
      %sign3A_965 = arith.extui %sign3A_964 : i1 to i32
      %sign3A_966 = arith.constant 0 : i32
      %sign3A_967 = arith.cmpi slt, %add3A_960, %sign3A_966 : i32
      %sign3A_968 = arith.extui %sign3A_967 : i1 to i32
      %sign3A_969 = arith.subi %sign3A_965, %sign3A_968 : i32
      %sign3A_970 = arith.constant 0 : i32
      %sign3A_971 = arith.cmpi sgt, %jit3A_961, %sign3A_970 : i32
      %sign3A_972 = arith.extui %sign3A_971 : i1 to i32
      %sign3A_973 = arith.constant 0 : i32
      %sign3A_974 = arith.cmpi slt, %jit3A_961, %sign3A_973 : i32
      %sign3A_975 = arith.extui %sign3A_974 : i1 to i32
      %sign3A_976 = arith.subi %sign3A_972, %sign3A_975 : i32
      %ne3A_977 = arith.cmpi ne, %sign3A_969, %sign3A_976 : i32
      %rem3A_978 = arith.remsi %add3A_960, %jit3A_961 : i32
      %ne3A_979 = arith.constant 0 : i32
      %ne3A_980 = arith.cmpi ne, %rem3A_978, %ne3A_979 : i32
      %and3A_981 = arith.andi %ne3A_977, %ne3A_980 : i1
      %sub3A_982 = arith.constant 1 : i32
      %sub3A_983 = arith.subi %div3A_962, %sub3A_982 : i32
      %select_n3A_984 = arith.select %and3A_981, %sub3A_983, %div3A_962 : i32
      %mul3A_985 = arith.constant 16 : i32
      %mul3A_986 = arith.muli %select_n3A_984, %mul3A_985 : i32
      %get3A_987 = arith.constant 0 : i32
      %get3A_988 = arith.index_cast %get3A_987 : i32 to index
      %get3A_989 = arith.index_cast %mul3A_986 : i32 to index
      %get3A_990 = tpu.vector_load %arg5[%get3A_988, %get3A_989] {strides = array<i32>} : memref<1x512xi32, #tpu.memory_space<vmem>>, vector<16xi32>,
      %rem3A_991 = arith.constant 16 : i32
      %rem3A_992 = arith.remsi %add3A_960, %rem3A_991 : i32
      %eq3A_993 = vector.broadcast %rem3A_992 : i32 to vector<16xi32>
      %eq3A_994 = arith.cmpi eq, %iota3A, %eq3A_993 : vector<16xi32>
      %jit3A_995 = arith.constant 0 : i32
      %broadcast_in_dim3A_996 = vector.broadcast %jit3A_995 : i32 to vector<16xi32>
      %select_n3A_997 = arith.select %eq3A_994, %get3A_990, %broadcast_in_dim3A_996 : vector<16xi1>, vector<16xi32>
      %reduce_max3A_998 = arith.constant true
      %reduce_max3A_999 = vector.broadcast %reduce_max3A_998 : i1 to vector<16xi1>
      %reduce_max3A_1000 = arith.constant -2147483648 : i32
      %reduce_max3A_1001 = vector.broadcast %reduce_max3A_1000 : i32 to vector<16xi32>
      %reduce_max3A_1002 = arith.xori %select_n3A_997, %reduce_max3A_1001 : vector<16xi32>
      %reduce_max3A_1003 = tpu.scan <max>, %reduce_max3A_1002 masked %reduce_max3A_999 : vector<16xi32>, vector<16xi1> -> vector<16xi32>
      %reduce_max3A_1004 = arith.xori %reduce_max3A_1003, %reduce_max3A_1001 : vector<16xi32>
      %reduce_max3A_1005 = vector.extract %reduce_max3A_1004[15] : i32 from vector<16xi32>
      %shift_right_logical3A_1006 = arith.constant 7 : i32
      %shift_right_logical3A_1007 = arith.shrui %reduce_max3A_1005, %shift_right_logical3A_1006 : i32
      %min3A_1008 = arith.constant 7811 : i32
      %min3A_1009 = arith.minsi %shift_right_logical3A_1007, %min3A_1008 : i32
      %mul3A_1010 = arith.constant 128 : i32
      %mul3A_1011 = arith.muli %min3A_1009, %mul3A_1010 : i32
      %multiple_of3A_1012 = tpu.assume_multiple %mul3A_1011, 128 : i32
      %dma_start3A_1013 = arith.constant 0 : i32
      %dma_start3A_1014 = tpu.memref_slice %arg3[%dma_start3A_1013, %multiple_of3A_1012] : memref<32x1000000xf32, #tpu.memory_space<hbm>> -> memref<32x128xf32, #tpu.memory_space<hbm>>
      %dma_start3A_1015 = arith.constant 0 : i32
      %dma_start3A_1016 = tpu.memref_slice %arg3[%dma_start3A_1015, %multiple_of3A_1012] : memref<32x1000000xf32, #tpu.memory_space<hbm>> -> memref<32x128xf32, #tpu.memory_space<hbm>>
      tpu.enqueue_dma source(%dma_start3A_1016 : memref<32x128xf32, #tpu.memory_space<hbm>>) target(%arg12 : memref<32x128xf32, #tpu.memory_space<vmem>>) target_semaphore(%arg22 : memref<!tpu.dma_semaphore, #tpu.memory_space<semaphore_mem>>)
      %dma_wait3A_1017 = arith.constant 0 : i32
      %dma_wait3A_1018 = arith.constant 0 : i32
      %dma_wait3A_1019 = tpu.memref_slice %arg3[%dma_wait3A_1017, %dma_wait3A_1018] : memref<32x1000000xf32, #tpu.memory_space<hbm>> -> memref<32x128xf32, #tpu.memory_space<hbm>>
      %dma_wait3A_1020 = arith.constant 0 : i32
      %dma_wait3A_1021 = arith.constant 0 : i32
      %dma_wait3A_1022 = tpu.memref_slice %arg3[%dma_wait3A_1020, %dma_wait3A_1021] : memref<32x1000000xf32, #tpu.memory_space<hbm>> -> memref<32x128xf32, #tpu.memory_space<hbm>>
      tpu.wait_dma2 semaphore(%arg23 : memref<!tpu.dma_semaphore, #tpu.memory_space<semaphore_mem>>) src(%dma_wait3A_1022 : memref<32x128xf32, #tpu.memory_space<hbm>>) dst(%arg13 : memref<32x128xf32, #tpu.memory_space<vmem>>)
      %add3A_1023 = arith.constant 7 : i32
      %add3A_1024 = arith.addi %mul3A_446, %add3A_1023 : i32
      %and3A_1025 = arith.constant 127 : i32
      %and3A_1026 = arith.andi %scan3A_444, %and3A_1025 : i32
      %broadcast_in_dim3A_1027 = vector.broadcast %and3A_1026 : i32 to vector<16xi32>
      %gather3A_1028 = tpu.vector_load_idx %arg13[%iota3A, %broadcast_in_dim3A_1027] : memref<32x128xf32, #tpu.memory_space<vmem>>[vector<16xi32>, vector<16xi32>], vector<16xf32>,
      %add3A_1029 = arith.constant 16 : i32
      %add3A_1030 = vector.broadcast %add3A_1029 : i32 to vector<16xi32>
      %add3A_1031 = arith.addi %iota3A, %add3A_1030 : vector<16xi32>
      %gather3A_1032 = tpu.vector_load_idx %arg13[%add3A_1031, %broadcast_in_dim3A_1027] : memref<32x128xf32, #tpu.memory_space<vmem>>[vector<16xi32>, vector<16xi32>], vector<16xf32>,
      %swap3A_1033 = arith.index_cast %add3A_1024 : i32 to index
      %swap3A_1034 = arith.constant 0 : index
      %swap3A_1035 = tpu.vector_load %arg15[%swap3A_1033, %swap3A_1034] {strides = array<i32>} : memref<512x128xf32, #tpu.memory_space<vmem>>, vector<16xf32>,
      tpu.vector_store %arg15[%swap3A_1033, %swap3A_1034], %gather3A_1028 {strides = array<i32>} : memref<512x128xf32, #tpu.memory_space<vmem>>, vector<16xf32>,
      %swap3A_1036 = arith.index_cast %add3A_1024 : i32 to index
      %swap3A_1037 = arith.constant 16 : index
      %swap3A_1038 = tpu.vector_load %arg15[%swap3A_1036, %swap3A_1037] {strides = array<i32>} : memref<512x128xf32, #tpu.memory_space<vmem>>, vector<16xf32>,
      tpu.vector_store %arg15[%swap3A_1036, %swap3A_1037], %gather3A_1032 {strides = array<i32>} : memref<512x128xf32, #tpu.memory_space<vmem>>, vector<16xf32>,
      %add3A_1039 = arith.constant 8 : i32
      %add3A_1040 = arith.addi %mul3A_446, %add3A_1039 : i32
      %add3A_1041 = arith.constant 7 : i32
      %add3A_1042 = arith.addi %add3A_1040, %add3A_1041 : i32
      %jit3A_1043 = arith.constant 16 : i32
      %div3A_1044 = arith.divsi %add3A_1042, %jit3A_1043 : i32
      %sign3A_1045 = arith.constant 0 : i32
      %sign3A_1046 = arith.cmpi sgt, %add3A_1042, %sign3A_1045 : i32
      %sign3A_1047 = arith.extui %sign3A_1046 : i1 to i32
      %sign3A_1048 = arith.constant 0 : i32
      %sign3A_1049 = arith.cmpi slt, %add3A_1042, %sign3A_1048 : i32
      %sign3A_1050 = arith.extui %sign3A_1049 : i1 to i32
      %sign3A_1051 = arith.subi %sign3A_1047, %sign3A_1050 : i32
      %sign3A_1052 = arith.constant 0 : i32
      %sign3A_1053 = arith.cmpi sgt, %jit3A_1043, %sign3A_1052 : i32
      %sign3A_1054 = arith.extui %sign3A_1053 : i1 to i32
      %sign3A_1055 = arith.constant 0 : i32
      %sign3A_1056 = arith.cmpi slt, %jit3A_1043, %sign3A_1055 : i32
      %sign3A_1057 = arith.extui %sign3A_1056 : i1 to i32
      %sign3A_1058 = arith.subi %sign3A_1054, %sign3A_1057 : i32
      %ne3A_1059 = arith.cmpi ne, %sign3A_1051, %sign3A_1058 : i32
      %rem3A_1060 = arith.remsi %add3A_1042, %jit3A_1043 : i32
      %ne3A_1061 = arith.constant 0 : i32
      %ne3A_1062 = arith.cmpi ne, %rem3A_1060, %ne3A_1061 : i32
      %and3A_1063 = arith.andi %ne3A_1059, %ne3A_1062 : i1
      %sub3A_1064 = arith.constant 1 : i32
      %sub3A_1065 = arith.subi %div3A_1044, %sub3A_1064 : i32
      %select_n3A_1066 = arith.select %and3A_1063, %sub3A_1065, %div3A_1044 : i32
      %mul3A_1067 = arith.constant 16 : i32
      %mul3A_1068 = arith.muli %select_n3A_1066, %mul3A_1067 : i32
      %get3A_1069 = arith.constant 0 : i32
      %get3A_1070 = arith.index_cast %get3A_1069 : i32 to index
      %get3A_1071 = arith.index_cast %mul3A_1068 : i32 to index
      %get3A_1072 = tpu.vector_load %arg5[%get3A_1070, %get3A_1071] {strides = array<i32>} : memref<1x512xi32, #tpu.memory_space<vmem>>, vector<16xi32>,
      %rem3A_1073 = arith.constant 16 : i32
      %rem3A_1074 = arith.remsi %add3A_1042, %rem3A_1073 : i32
      %eq3A_1075 = vector.broadcast %rem3A_1074 : i32 to vector<16xi32>
      %eq3A_1076 = arith.cmpi eq, %iota3A, %eq3A_1075 : vector<16xi32>
      %jit3A_1077 = arith.constant 0 : i32
      %broadcast_in_dim3A_1078 = vector.broadcast %jit3A_1077 : i32 to vector<16xi32>
      %select_n3A_1079 = arith.select %eq3A_1076, %get3A_1072, %broadcast_in_dim3A_1078 : vector<16xi1>, vector<16xi32>
      %reduce_max3A_1080 = arith.constant true
      %reduce_max3A_1081 = vector.broadcast %reduce_max3A_1080 : i1 to vector<16xi1>
      %reduce_max3A_1082 = arith.constant -2147483648 : i32
      %reduce_max3A_1083 = vector.broadcast %reduce_max3A_1082 : i32 to vector<16xi32>
      %reduce_max3A_1084 = arith.xori %select_n3A_1079, %reduce_max3A_1083 : vector<16xi32>
      %reduce_max3A_1085 = tpu.scan <max>, %reduce_max3A_1084 masked %reduce_max3A_1081 : vector<16xi32>, vector<16xi1> -> vector<16xi32>
      %reduce_max3A_1086 = arith.xori %reduce_max3A_1085, %reduce_max3A_1083 : vector<16xi32>
      %reduce_max3A_1087 = vector.extract %reduce_max3A_1086[15] : i32 from vector<16xi32>
      %shift_right_logical3A_1088 = arith.constant 7 : i32
      %shift_right_logical3A_1089 = arith.shrui %reduce_max3A_1087, %shift_right_logical3A_1088 : i32
      %min3A_1090 = arith.constant 7811 : i32
      %min3A_1091 = arith.minsi %shift_right_logical3A_1089, %min3A_1090 : i32
      %mul3A_1092 = arith.constant 128 : i32
      %mul3A_1093 = arith.muli %min3A_1091, %mul3A_1092 : i32
      %multiple_of3A_1094 = tpu.assume_multiple %mul3A_1093, 128 : i32
      %dma_start3A_1095 = arith.constant 0 : i32
      %dma_start3A_1096 = tpu.memref_slice %arg3[%dma_start3A_1095, %multiple_of3A_1094] : memref<32x1000000xf32, #tpu.memory_space<hbm>> -> memref<32x128xf32, #tpu.memory_space<hbm>>
      %dma_start3A_1097 = arith.constant 0 : i32
      %dma_start3A_1098 = tpu.memref_slice %arg3[%dma_start3A_1097, %multiple_of3A_1094] : memref<32x1000000xf32, #tpu.memory_space<hbm>> -> memref<32x128xf32, #tpu.memory_space<hbm>>
      tpu.enqueue_dma source(%dma_start3A_1098 : memref<32x128xf32, #tpu.memory_space<hbm>>) target(%arg13 : memref<32x128xf32, #tpu.memory_space<vmem>>) target_semaphore(%arg23 : memref<!tpu.dma_semaphore, #tpu.memory_space<semaphore_mem>>)
      scf.yield %reduce_max3A_513, %reduce_max3A_595, %reduce_max3A_677, %reduce_max3A_759, %reduce_max3A_841, %reduce_max3A_923, %reduce_max3A_1005, %reduce_max3A_1087 : i32, i32, i32, i32, i32, i32, i32, i32
    }
    %scan3A_244 = arith.constant 63 : i32
    %dma_wait3A = arith.constant 0 : i32
    %dma_wait3A_245 = arith.constant 0 : i32
    %dma_wait3A_246 = tpu.memref_slice %arg3[%dma_wait3A, %dma_wait3A_245] : memref<32x1000000xf32, #tpu.memory_space<hbm>> -> memref<32x128xf32, #tpu.memory_space<hbm>>
    %dma_wait3A_247 = arith.constant 0 : i32
    %dma_wait3A_248 = arith.constant 0 : i32
    %dma_wait3A_249 = tpu.memref_slice %arg3[%dma_wait3A_247, %dma_wait3A_248] : memref<32x1000000xf32, #tpu.memory_space<hbm>> -> memref<32x128xf32, #tpu.memory_space<hbm>>
    tpu.wait_dma2 semaphore(%arg16 : memref<!tpu.dma_semaphore, #tpu.memory_space<semaphore_mem>>) src(%dma_wait3A_249 : memref<32x128xf32, #tpu.memory_space<hbm>>) dst(%arg6 : memref<32x128xf32, #tpu.memory_space<vmem>>)
    %and3A = arith.constant 127 : i32
    %and3A_250 = arith.andi %scan3A_243#0, %and3A : i32
    %broadcast_in_dim3A_251 = vector.broadcast %and3A_250 : i32 to vector<16xi32>
    %gather3A = tpu.vector_load_idx %arg6[%iota3A, %broadcast_in_dim3A_251] : memref<32x128xf32, #tpu.memory_space<vmem>>[vector<16xi32>, vector<16xi32>], vector<16xf32>,
    %add3A_252 = arith.constant 16 : i32
    %add3A_253 = vector.broadcast %add3A_252 : i32 to vector<16xi32>
    %add3A_254 = arith.addi %iota3A, %add3A_253 : vector<16xi32>
    %gather3A_255 = tpu.vector_load_idx %arg6[%add3A_254, %broadcast_in_dim3A_251] : memref<32x128xf32, #tpu.memory_space<vmem>>[vector<16xi32>, vector<16xi32>], vector<16xf32>,
    %swap3A = arith.constant 504 : i32
    %swap3A_256 = arith.index_cast %swap3A : i32 to index
    %swap3A_257 = arith.constant 0 : index
    %swap3A_258 = tpu.vector_load %arg15[%swap3A_256, %swap3A_257] {strides = array<i32>} : memref<512x128xf32, #tpu.memory_space<vmem>>, vector<16xf32>,
    tpu.vector_store %arg15[%swap3A_256, %swap3A_257], %gather3A {strides = array<i32>} : memref<512x128xf32, #tpu.memory_space<vmem>>, vector<16xf32>,
    %swap3A_259 = arith.constant 504 : i32
    %swap3A_260 = arith.index_cast %swap3A_259 : i32 to index
    %swap3A_261 = arith.constant 16 : index
    %swap3A_262 = tpu.vector_load %arg15[%swap3A_260, %swap3A_261] {strides = array<i32>} : memref<512x128xf32, #tpu.memory_space<vmem>>, vector<16xf32>,
    tpu.vector_store %arg15[%swap3A_260, %swap3A_261], %gather3A_255 {strides = array<i32>} : memref<512x128xf32, #tpu.memory_space<vmem>>, vector<16xf32>,
    %dma_wait3A_263 = arith.constant 0 : i32
    %dma_wait3A_264 = arith.constant 0 : i32
    %dma_wait3A_265 = tpu.memref_slice %arg3[%dma_wait3A_263, %dma_wait3A_264] : memref<32x1000000xf32, #tpu.memory_space<hbm>> -> memref<32x128xf32, #tpu.memory_space<hbm>>
    %dma_wait3A_266 = arith.constant 0 : i32
    %dma_wait3A_267 = arith.constant 0 : i32
    %dma_wait3A_268 = tpu.memref_slice %arg3[%dma_wait3A_266, %dma_wait3A_267] : memref<32x1000000xf32, #tpu.memory_space<hbm>> -> memref<32x128xf32, #tpu.memory_space<hbm>>
    tpu.wait_dma2 semaphore(%arg17 : memref<!tpu.dma_semaphore, #tpu.memory_space<semaphore_mem>>) src(%dma_wait3A_268 : memref<32x128xf32, #tpu.memory_space<hbm>>) dst(%arg7 : memref<32x128xf32, #tpu.memory_space<vmem>>)
    %and3A_269 = arith.constant 127 : i32
    %and3A_270 = arith.andi %scan3A_243#1, %and3A_269 : i32
    %broadcast_in_dim3A_271 = vector.broadcast %and3A_270 : i32 to vector<16xi32>
    %gather3A_272 = tpu.vector_load_idx %arg7[%iota3A, %broadcast_in_dim3A_271] : memref<32x128xf32, #tpu.memory_space<vmem>>[vector<16xi32>, vector<16xi32>], vector<16xf32>,
    %add3A_273 = arith.constant 16 : i32
    %add3A_274 = vector.broadcast %add3A_273 : i32 to vector<16xi32>
    %add3A_275 = arith.addi %iota3A, %add3A_274 : vector<16xi32>
    %gather3A_276 = tpu.vector_load_idx %arg7[%add3A_275, %broadcast_in_dim3A_271] : memref<32x128xf32, #tpu.memory_space<vmem>>[vector<16xi32>, vector<16xi32>], vector<16xf32>,
    %swap3A_277 = arith.constant 505 : i32
    %swap3A_278 = arith.index_cast %swap3A_277 : i32 to index
    %swap3A_279 = arith.constant 0 : index
    %swap3A_280 = tpu.vector_load %arg15[%swap3A_278, %swap3A_279] {strides = array<i32>} : memref<512x128xf32, #tpu.memory_space<vmem>>, vector<16xf32>,
    tpu.vector_store %arg15[%swap3A_278, %swap3A_279], %gather3A_272 {strides = array<i32>} : memref<512x128xf32, #tpu.memory_space<vmem>>, vector<16xf32>,
    %swap3A_281 = arith.constant 505 : i32
    %swap3A_282 = arith.index_cast %swap3A_281 : i32 to index
    %swap3A_283 = arith.constant 16 : index
    %swap3A_284 = tpu.vector_load %arg15[%swap3A_282, %swap3A_283] {strides = array<i32>} : memref<512x128xf32, #tpu.memory_space<vmem>>, vector<16xf32>,
    tpu.vector_store %arg15[%swap3A_282, %swap3A_283], %gather3A_276 {strides = array<i32>} : memref<512x128xf32, #tpu.memory_space<vmem>>, vector<16xf32>,
    %dma_wait3A_285 = arith.constant 0 : i32
    %dma_wait3A_286 = arith.constant 0 : i32
    %dma_wait3A_287 = tpu.memref_slice %arg3[%dma_wait3A_285, %dma_wait3A_286] : memref<32x1000000xf32, #tpu.memory_space<hbm>> -> memref<32x128xf32, #tpu.memory_space<hbm>>
    %dma_wait3A_288 = arith.constant 0 : i32
    %dma_wait3A_289 = arith.constant 0 : i32
    %dma_wait3A_290 = tpu.memref_slice %arg3[%dma_wait3A_288, %dma_wait3A_289] : memref<32x1000000xf32, #tpu.memory_space<hbm>> -> memref<32x128xf32, #tpu.memory_space<hbm>>
    tpu.wait_dma2 semaphore(%arg18 : memref<!tpu.dma_semaphore, #tpu.memory_space<semaphore_mem>>) src(%dma_wait3A_290 : memref<32x128xf32, #tpu.memory_space<hbm>>) dst(%arg8 : memref<32x128xf32, #tpu.memory_space<vmem>>)
    %and3A_291 = arith.constant 127 : i32
    %and3A_292 = arith.andi %scan3A_243#2, %and3A_291 : i32
    %broadcast_in_dim3A_293 = vector.broadcast %and3A_292 : i32 to vector<16xi32>
    %gather3A_294 = tpu.vector_load_idx %arg8[%iota3A, %broadcast_in_dim3A_293] : memref<32x128xf32, #tpu.memory_space<vmem>>[vector<16xi32>, vector<16xi32>], vector<16xf32>,
    %add3A_295 = arith.constant 16 : i32
    %add3A_296 = vector.broadcast %add3A_295 : i32 to vector<16xi32>
    %add3A_297 = arith.addi %iota3A, %add3A_296 : vector<16xi32>
    %gather3A_298 = tpu.vector_load_idx %arg8[%add3A_297, %broadcast_in_dim3A_293] : memref<32x128xf32, #tpu.memory_space<vmem>>[vector<16xi32>, vector<16xi32>], vector<16xf32>,
    %swap3A_299 = arith.constant 506 : i32
    %swap3A_300 = arith.index_cast %swap3A_299 : i32 to index
    %swap3A_301 = arith.constant 0 : index
    %swap3A_302 = tpu.vector_load %arg15[%swap3A_300, %swap3A_301] {strides = array<i32>} : memref<512x128xf32, #tpu.memory_space<vmem>>, vector<16xf32>,
    tpu.vector_store %arg15[%swap3A_300, %swap3A_301], %gather3A_294 {strides = array<i32>} : memref<512x128xf32, #tpu.memory_space<vmem>>, vector<16xf32>,
    %swap3A_303 = arith.constant 506 : i32
    %swap3A_304 = arith.index_cast %swap3A_303 : i32 to index
    %swap3A_305 = arith.constant 16 : index
    %swap3A_306 = tpu.vector_load %arg15[%swap3A_304, %swap3A_305] {strides = array<i32>} : memref<512x128xf32, #tpu.memory_space<vmem>>, vector<16xf32>,
    tpu.vector_store %arg15[%swap3A_304, %swap3A_305], %gather3A_298 {strides = array<i32>} : memref<512x128xf32, #tpu.memory_space<vmem>>, vector<16xf32>,
    %dma_wait3A_307 = arith.constant 0 : i32
    %dma_wait3A_308 = arith.constant 0 : i32
    %dma_wait3A_309 = tpu.memref_slice %arg3[%dma_wait3A_307, %dma_wait3A_308] : memref<32x1000000xf32, #tpu.memory_space<hbm>> -> memref<32x128xf32, #tpu.memory_space<hbm>>
    %dma_wait3A_310 = arith.constant 0 : i32
    %dma_wait3A_311 = arith.constant 0 : i32
    %dma_wait3A_312 = tpu.memref_slice %arg3[%dma_wait3A_310, %dma_wait3A_311] : memref<32x1000000xf32, #tpu.memory_space<hbm>> -> memref<32x128xf32, #tpu.memory_space<hbm>>
    tpu.wait_dma2 semaphore(%arg19 : memref<!tpu.dma_semaphore, #tpu.memory_space<semaphore_mem>>) src(%dma_wait3A_312 : memref<32x128xf32, #tpu.memory_space<hbm>>) dst(%arg9 : memref<32x128xf32, #tpu.memory_space<vmem>>)
    %and3A_313 = arith.constant 127 : i32
    %and3A_314 = arith.andi %scan3A_243#3, %and3A_313 : i32
    %broadcast_in_dim3A_315 = vector.broadcast %and3A_314 : i32 to vector<16xi32>
    %gather3A_316 = tpu.vector_load_idx %arg9[%iota3A, %broadcast_in_dim3A_315] : memref<32x128xf32, #tpu.memory_space<vmem>>[vector<16xi32>, vector<16xi32>], vector<16xf32>,
    %add3A_317 = arith.constant 16 : i32
    %add3A_318 = vector.broadcast %add3A_317 : i32 to vector<16xi32>
    %add3A_319 = arith.addi %iota3A, %add3A_318 : vector<16xi32>
    %gather3A_320 = tpu.vector_load_idx %arg9[%add3A_319, %broadcast_in_dim3A_315] : memref<32x128xf32, #tpu.memory_space<vmem>>[vector<16xi32>, vector<16xi32>], vector<16xf32>,
    %swap3A_321 = arith.constant 507 : i32
    %swap3A_322 = arith.index_cast %swap3A_321 : i32 to index
    %swap3A_323 = arith.constant 0 : index
    %swap3A_324 = tpu.vector_load %arg15[%swap3A_322, %swap3A_323] {strides = array<i32>} : memref<512x128xf32, #tpu.memory_space<vmem>>, vector<16xf32>,
    tpu.vector_store %arg15[%swap3A_322, %swap3A_323], %gather3A_316 {strides = array<i32>} : memref<512x128xf32, #tpu.memory_space<vmem>>, vector<16xf32>,
    %swap3A_325 = arith.constant 507 : i32
    %swap3A_326 = arith.index_cast %swap3A_325 : i32 to index
    %swap3A_327 = arith.constant 16 : index
    %swap3A_328 = tpu.vector_load %arg15[%swap3A_326, %swap3A_327] {strides = array<i32>} : memref<512x128xf32, #tpu.memory_space<vmem>>, vector<16xf32>,
    tpu.vector_store %arg15[%swap3A_326, %swap3A_327], %gather3A_320 {strides = array<i32>} : memref<512x128xf32, #tpu.memory_space<vmem>>, vector<16xf32>,
    %dma_wait3A_329 = arith.constant 0 : i32
    %dma_wait3A_330 = arith.constant 0 : i32
    %dma_wait3A_331 = tpu.memref_slice %arg3[%dma_wait3A_329, %dma_wait3A_330] : memref<32x1000000xf32, #tpu.memory_space<hbm>> -> memref<32x128xf32, #tpu.memory_space<hbm>>
    %dma_wait3A_332 = arith.constant 0 : i32
    %dma_wait3A_333 = arith.constant 0 : i32
    %dma_wait3A_334 = tpu.memref_slice %arg3[%dma_wait3A_332, %dma_wait3A_333] : memref<32x1000000xf32, #tpu.memory_space<hbm>> -> memref<32x128xf32, #tpu.memory_space<hbm>>
    tpu.wait_dma2 semaphore(%arg20 : memref<!tpu.dma_semaphore, #tpu.memory_space<semaphore_mem>>) src(%dma_wait3A_334 : memref<32x128xf32, #tpu.memory_space<hbm>>) dst(%arg10 : memref<32x128xf32, #tpu.memory_space<vmem>>)
    %and3A_335 = arith.constant 127 : i32
    %and3A_336 = arith.andi %scan3A_243#4, %and3A_335 : i32
    %broadcast_in_dim3A_337 = vector.broadcast %and3A_336 : i32 to vector<16xi32>
    %gather3A_338 = tpu.vector_load_idx %arg10[%iota3A, %broadcast_in_dim3A_337] : memref<32x128xf32, #tpu.memory_space<vmem>>[vector<16xi32>, vector<16xi32>], vector<16xf32>,
    %add3A_339 = arith.constant 16 : i32
    %add3A_340 = vector.broadcast %add3A_339 : i32 to vector<16xi32>
    %add3A_341 = arith.addi %iota3A, %add3A_340 : vector<16xi32>
    %gather3A_342 = tpu.vector_load_idx %arg10[%add3A_341, %broadcast_in_dim3A_337] : memref<32x128xf32, #tpu.memory_space<vmem>>[vector<16xi32>, vector<16xi32>], vector<16xf32>,
    %swap3A_343 = arith.constant 508 : i32
    %swap3A_344 = arith.index_cast %swap3A_343 : i32 to index
    %swap3A_345 = arith.constant 0 : index
    %swap3A_346 = tpu.vector_load %arg15[%swap3A_344, %swap3A_345] {strides = array<i32>} : memref<512x128xf32, #tpu.memory_space<vmem>>, vector<16xf32>,
    tpu.vector_store %arg15[%swap3A_344, %swap3A_345], %gather3A_338 {strides = array<i32>} : memref<512x128xf32, #tpu.memory_space<vmem>>, vector<16xf32>,
    %swap3A_347 = arith.constant 508 : i32
    %swap3A_348 = arith.index_cast %swap3A_347 : i32 to index
    %swap3A_349 = arith.constant 16 : index
    %swap3A_350 = tpu.vector_load %arg15[%swap3A_348, %swap3A_349] {strides = array<i32>} : memref<512x128xf32, #tpu.memory_space<vmem>>, vector<16xf32>,
    tpu.vector_store %arg15[%swap3A_348, %swap3A_349], %gather3A_342 {strides = array<i32>} : memref<512x128xf32, #tpu.memory_space<vmem>>, vector<16xf32>,
    %dma_wait3A_351 = arith.constant 0 : i32
    %dma_wait3A_352 = arith.constant 0 : i32
    %dma_wait3A_353 = tpu.memref_slice %arg3[%dma_wait3A_351, %dma_wait3A_352] : memref<32x1000000xf32, #tpu.memory_space<hbm>> -> memref<32x128xf32, #tpu.memory_space<hbm>>
    %dma_wait3A_354 = arith.constant 0 : i32
    %dma_wait3A_355 = arith.constant 0 : i32
    %dma_wait3A_356 = tpu.memref_slice %arg3[%dma_wait3A_354, %dma_wait3A_355] : memref<32x1000000xf32, #tpu.memory_space<hbm>> -> memref<32x128xf32, #tpu.memory_space<hbm>>
    tpu.wait_dma2 semaphore(%arg21 : memref<!tpu.dma_semaphore, #tpu.memory_space<semaphore_mem>>) src(%dma_wait3A_356 : memref<32x128xf32, #tpu.memory_space<hbm>>) dst(%arg11 : memref<32x128xf32, #tpu.memory_space<vmem>>)
    %and3A_357 = arith.constant 127 : i32
    %and3A_358 = arith.andi %scan3A_243#5, %and3A_357 : i32
    %broadcast_in_dim3A_359 = vector.broadcast %and3A_358 : i32 to vector<16xi32>
    %gather3A_360 = tpu.vector_load_idx %arg11[%iota3A, %broadcast_in_dim3A_359] : memref<32x128xf32, #tpu.memory_space<vmem>>[vector<16xi32>, vector<16xi32>], vector<16xf32>,
    %add3A_361 = arith.constant 16 : i32
    %add3A_362 = vector.broadcast %add3A_361 : i32 to vector<16xi32>
    %add3A_363 = arith.addi %iota3A, %add3A_362 : vector<16xi32>
    %gather3A_364 = tpu.vector_load_idx %arg11[%add3A_363, %broadcast_in_dim3A_359] : memref<32x128xf32, #tpu.memory_space<vmem>>[vector<16xi32>, vector<16xi32>], vector<16xf32>,
    %swap3A_365 = arith.constant 509 : i32
    %swap3A_366 = arith.index_cast %swap3A_365 : i32 to index
    %swap3A_367 = arith.constant 0 : index
    %swap3A_368 = tpu.vector_load %arg15[%swap3A_366, %swap3A_367] {strides = array<i32>} : memref<512x128xf32, #tpu.memory_space<vmem>>, vector<16xf32>,
    tpu.vector_store %arg15[%swap3A_366, %swap3A_367], %gather3A_360 {strides = array<i32>} : memref<512x128xf32, #tpu.memory_space<vmem>>, vector<16xf32>,
    %swap3A_369 = arith.constant 509 : i32
    %swap3A_370 = arith.index_cast %swap3A_369 : i32 to index
    %swap3A_371 = arith.constant 16 : index
    %swap3A_372 = tpu.vector_load %arg15[%swap3A_370, %swap3A_371] {strides = array<i32>} : memref<512x128xf32, #tpu.memory_space<vmem>>, vector<16xf32>,
    tpu.vector_store %arg15[%swap3A_370, %swap3A_371], %gather3A_364 {strides = array<i32>} : memref<512x128xf32, #tpu.memory_space<vmem>>, vector<16xf32>,
    %dma_wait3A_373 = arith.constant 0 : i32
    %dma_wait3A_374 = arith.constant 0 : i32
    %dma_wait3A_375 = tpu.memref_slice %arg3[%dma_wait3A_373, %dma_wait3A_374] : memref<32x1000000xf32, #tpu.memory_space<hbm>> -> memref<32x128xf32, #tpu.memory_space<hbm>>
    %dma_wait3A_376 = arith.constant 0 : i32
    %dma_wait3A_377 = arith.constant 0 : i32
    %dma_wait3A_378 = tpu.memref_slice %arg3[%dma_wait3A_376, %dma_wait3A_377] : memref<32x1000000xf32, #tpu.memory_space<hbm>> -> memref<32x128xf32, #tpu.memory_space<hbm>>
    tpu.wait_dma2 semaphore(%arg22 : memref<!tpu.dma_semaphore, #tpu.memory_space<semaphore_mem>>) src(%dma_wait3A_378 : memref<32x128xf32, #tpu.memory_space<hbm>>) dst(%arg12 : memref<32x128xf32, #tpu.memory_space<vmem>>)
    %and3A_379 = arith.constant 127 : i32
    %and3A_380 = arith.andi %scan3A_243#6, %and3A_379 : i32
    %broadcast_in_dim3A_381 = vector.broadcast %and3A_380 : i32 to vector<16xi32>
    %gather3A_382 = tpu.vector_load_idx %arg12[%iota3A, %broadcast_in_dim3A_381] : memref<32x128xf32, #tpu.memory_space<vmem>>[vector<16xi32>, vector<16xi32>], vector<16xf32>,
    %add3A_383 = arith.constant 16 : i32
    %add3A_384 = vector.broadcast %add3A_383 : i32 to vector<16xi32>
    %add3A_385 = arith.addi %iota3A, %add3A_384 : vector<16xi32>
    %gather3A_386 = tpu.vector_load_idx %arg12[%add3A_385, %broadcast_in_dim3A_381] : memref<32x128xf32, #tpu.memory_space<vmem>>[vector<16xi32>, vector<16xi32>], vector<16xf32>,
    %swap3A_387 = arith.constant 510 : i32
    %swap3A_388 = arith.index_cast %swap3A_387 : i32 to index
    %swap3A_389 = arith.constant 0 : index
    %swap3A_390 = tpu.vector_load %arg15[%swap3A_388, %swap3A_389] {strides = array<i32>} : memref<512x128xf32, #tpu.memory_space<vmem>>, vector<16xf32>,
    tpu.vector_store %arg15[%swap3A_388, %swap3A_389], %gather3A_382 {strides = array<i32>} : memref<512x128xf32, #tpu.memory_space<vmem>>, vector<16xf32>,
    %swap3A_391 = arith.constant 510 : i32
    %swap3A_392 = arith.index_cast %swap3A_391 : i32 to index
    %swap3A_393 = arith.constant 16 : index
    %swap3A_394 = tpu.vector_load %arg15[%swap3A_392, %swap3A_393] {strides = array<i32>} : memref<512x128xf32, #tpu.memory_space<vmem>>, vector<16xf32>,
    tpu.vector_store %arg15[%swap3A_392, %swap3A_393], %gather3A_386 {strides = array<i32>} : memref<512x128xf32, #tpu.memory_space<vmem>>, vector<16xf32>,
    %dma_wait3A_395 = arith.constant 0 : i32
    %dma_wait3A_396 = arith.constant 0 : i32
    %dma_wait3A_397 = tpu.memref_slice %arg3[%dma_wait3A_395, %dma_wait3A_396] : memref<32x1000000xf32, #tpu.memory_space<hbm>> -> memref<32x128xf32, #tpu.memory_space<hbm>>
    %dma_wait3A_398 = arith.constant 0 : i32
    %dma_wait3A_399 = arith.constant 0 : i32
    %dma_wait3A_400 = tpu.memref_slice %arg3[%dma_wait3A_398, %dma_wait3A_399] : memref<32x1000000xf32, #tpu.memory_space<hbm>> -> memref<32x128xf32, #tpu.memory_space<hbm>>
    tpu.wait_dma2 semaphore(%arg23 : memref<!tpu.dma_semaphore, #tpu.memory_space<semaphore_mem>>) src(%dma_wait3A_400 : memref<32x128xf32, #tpu.memory_space<hbm>>) dst(%arg13 : memref<32x128xf32, #tpu.memory_space<vmem>>)
    %and3A_401 = arith.constant 127 : i32
    %and3A_402 = arith.andi %scan3A_243#7, %and3A_401 : i32
    %broadcast_in_dim3A_403 = vector.broadcast %and3A_402 : i32 to vector<16xi32>
    %gather3A_404 = tpu.vector_load_idx %arg13[%iota3A, %broadcast_in_dim3A_403] : memref<32x128xf32, #tpu.memory_space<vmem>>[vector<16xi32>, vector<16xi32>], vector<16xf32>,
    %add3A_405 = arith.constant 16 : i32
    %add3A_406 = vector.broadcast %add3A_405 : i32 to vector<16xi32>
    %add3A_407 = arith.addi %iota3A, %add3A_406 : vector<16xi32>
    %gather3A_408 = tpu.vector_load_idx %arg13[%add3A_407, %broadcast_in_dim3A_403] : memref<32x128xf32, #tpu.memory_space<vmem>>[vector<16xi32>, vector<16xi32>], vector<16xf32>,
    %swap3A_409 = arith.constant 511 : i32
    %swap3A_410 = arith.index_cast %swap3A_409 : i32 to index
    %swap3A_411 = arith.constant 0 : index
    %swap3A_412 = tpu.vector_load %arg15[%swap3A_410, %swap3A_411] {strides = array<i32>} : memref<512x128xf32, #tpu.memory_space<vmem>>, vector<16xf32>,
    tpu.vector_store %arg15[%swap3A_410, %swap3A_411], %gather3A_404 {strides = array<i32>} : memref<512x128xf32, #tpu.memory_space<vmem>>, vector<16xf32>,
    %swap3A_413 = arith.constant 511 : i32
    %swap3A_414 = arith.index_cast %swap3A_413 : i32 to index
    %swap3A_415 = arith.constant 16 : index
    %swap3A_416 = tpu.vector_load %arg15[%swap3A_414, %swap3A_415] {strides = array<i32>} : memref<512x128xf32, #tpu.memory_space<vmem>>, vector<16xf32>,
    tpu.vector_store %arg15[%swap3A_414, %swap3A_415], %gather3A_408 {strides = array<i32>} : memref<512x128xf32, #tpu.memory_space<vmem>>, vector<16xf32>,
    %dma_start3A_417 = arith.constant 0 : i32
    %dma_start3A_418 = arith.constant 999936 : i32
    %dma_start3A_419 = tpu.memref_slice %arg3[%dma_start3A_417, %dma_start3A_418] : memref<32x1000000xf32, #tpu.memory_space<hbm>> -> memref<32x64xf32, #tpu.memory_space<hbm>>
    %dma_start3A_420 = arith.constant 0 : i32
    %dma_start3A_421 = arith.constant 999936 : i32
    %dma_start3A_422 = tpu.memref_slice %arg3[%dma_start3A_420, %dma_start3A_421] : memref<32x1000000xf32, #tpu.memory_space<hbm>> -> memref<32x64xf32, #tpu.memory_space<hbm>>
    tpu.enqueue_dma source(%dma_start3A_422 : memref<32x64xf32, #tpu.memory_space<hbm>>) target(%arg14 : memref<32x64xf32, #tpu.memory_space<vmem>>) target_semaphore(%arg24 : memref<!tpu.dma_semaphore, #tpu.memory_space<semaphore_mem>>)
    %dma_wait3A_423 = arith.constant 0 : i32
    %dma_wait3A_424 = arith.constant 999936 : i32
    %dma_wait3A_425 = tpu.memref_slice %arg3[%dma_wait3A_423, %dma_wait3A_424] : memref<32x1000000xf32, #tpu.memory_space<hbm>> -> memref<32x64xf32, #tpu.memory_space<hbm>>
    %dma_wait3A_426 = arith.constant 0 : i32
    %dma_wait3A_427 = arith.constant 999936 : i32
    %dma_wait3A_428 = tpu.memref_slice %arg3[%dma_wait3A_426, %dma_wait3A_427] : memref<32x1000000xf32, #tpu.memory_space<hbm>> -> memref<32x64xf32, #tpu.memory_space<hbm>>
    tpu.wait_dma2 semaphore(%arg24 : memref<!tpu.dma_semaphore, #tpu.memory_space<semaphore_mem>>) src(%dma_wait3A_428 : memref<32x64xf32, #tpu.memory_space<hbm>>) dst(%arg14 : memref<32x64xf32, #tpu.memory_space<vmem>>)
    %scan3A_429 = arith.constant 0 : i32
    %scan3A_430 = arith.constant 0 : i32
    %scan3A_431 = arith.constant 32 : i32
    %scan3A_432 = arith.addi %scan3A_430, %scan3A_431 : i32
    %scan3A_433 = arith.constant 1 : i32
    %scan3A_434 = scf.for %scan3A_436 = %scan3A_430 to %scan3A_432 step %scan3A_433 iter_args(%scan3A_437 = %scan3A_429) -> (i32)  : i32 {
      %mul3A_438 = arith.constant 16 : i32
      %mul3A_439 = arith.muli %scan3A_436, %mul3A_438 : i32
      %add3A_440 = vector.broadcast %mul3A_439 : i32 to vector<16xi32>
      %add3A_441 = arith.addi %iota3A, %add3A_440 : vector<16xi32>
      %mul3A_442 = arith.constant 16 : i32
      %mul3A_443 = arith.muli %scan3A_436, %mul3A_442 : i32
      %get3A_444 = arith.constant 0 : i32
      %get3A_445 = arith.index_cast %get3A_444 : i32 to index
      %get3A_446 = arith.index_cast %mul3A_443 : i32 to index
      %get3A_447 = tpu.vector_load %arg5[%get3A_445, %get3A_446] {strides = array<i32>} : memref<1x512xi32, #tpu.memory_space<vmem>>, vector<16xi32>,
      %ge3A = arith.constant 999936 : i32
      %ge3A_448 = vector.broadcast %ge3A : i32 to vector<16xi32>
      %ge3A_449 = arith.cmpi sge, %get3A_447, %ge3A_448 : vector<16xi32>
      %sub3A = arith.constant 999936 : i32
      %sub3A_450 = vector.broadcast %sub3A : i32 to vector<16xi32>
      %sub3A_451 = arith.subi %get3A_447, %sub3A_450 : vector<16xi32>
      %broadcast_in_dim3A_452 = arith.constant 0 : i32
      %broadcast_in_dim3A_453 = vector.broadcast %broadcast_in_dim3A_452 : i32 to vector<16xi32>
      %max3A = arith.maxsi %sub3A_451, %broadcast_in_dim3A_453 : vector<16xi32>
      %broadcast_in_dim3A_454 = arith.constant 0 : i32
      %broadcast_in_dim3A_455 = vector.broadcast %broadcast_in_dim3A_454 : i32 to vector<16xi32>
      %gather3A_456 = tpu.vector_load_idx %arg14[%broadcast_in_dim3A_455, %max3A] : memref<32x64xf32, #tpu.memory_space<vmem>>[vector<16xi32>, vector<16xi32>], vector<16xf32>,
      tpu.vector_store_idx %arg15[%add3A_441, %broadcast_in_dim3A_455], %gather3A_456 masked %ge3A_449 : memref<512x128xf32, #tpu.memory_space<vmem>>[vector<16xi32>, vector<16xi32>], vector<16xf32>, vector<16xi1>
      %broadcast_in_dim3A_457 = arith.constant 1 : i32
      %broadcast_in_dim3A_458 = vector.broadcast %broadcast_in_dim3A_457 : i32 to vector<16xi32>
      %gather3A_459 = tpu.vector_load_idx %arg14[%broadcast_in_dim3A_458, %max3A] : memref<32x64xf32, #tpu.memory_space<vmem>>[vector<16xi32>, vector<16xi32>], vector<16xf32>,
      tpu.vector_store_idx %arg15[%add3A_441, %broadcast_in_dim3A_458], %gather3A_459 masked %ge3A_449 : memref<512x128xf32, #tpu.memory_space<vmem>>[vector<16xi32>, vector<16xi32>], vector<16xf32>, vector<16xi1>
      %broadcast_in_dim3A_460 = arith.constant 2 : i32
      %broadcast_in_dim3A_461 = vector.broadcast %broadcast_in_dim3A_460 : i32 to vector<16xi32>
      %gather3A_462 = tpu.vector_load_idx %arg14[%broadcast_in_dim3A_461, %max3A] : memref<32x64xf32, #tpu.memory_space<vmem>>[vector<16xi32>, vector<16xi32>], vector<16xf32>,
      tpu.vector_store_idx %arg15[%add3A_441, %broadcast_in_dim3A_461], %gather3A_462 masked %ge3A_449 : memref<512x128xf32, #tpu.memory_space<vmem>>[vector<16xi32>, vector<16xi32>], vector<16xf32>, vector<16xi1>
      %broadcast_in_dim3A_463 = arith.constant 3 : i32
      %broadcast_in_dim3A_464 = vector.broadcast %broadcast_in_dim3A_463 : i32 to vector<16xi32>
      %gather3A_465 = tpu.vector_load_idx %arg14[%broadcast_in_dim3A_464, %max3A] : memref<32x64xf32, #tpu.memory_space<vmem>>[vector<16xi32>, vector<16xi32>], vector<16xf32>,
      tpu.vector_store_idx %arg15[%add3A_441, %broadcast_in_dim3A_464], %gather3A_465 masked %ge3A_449 : memref<512x128xf32, #tpu.memory_space<vmem>>[vector<16xi32>, vector<16xi32>], vector<16xf32>, vector<16xi1>
      %broadcast_in_dim3A_466 = arith.constant 4 : i32
      %broadcast_in_dim3A_467 = vector.broadcast %broadcast_in_dim3A_466 : i32 to vector<16xi32>
      %gather3A_468 = tpu.vector_load_idx %arg14[%broadcast_in_dim3A_467, %max3A] : memref<32x64xf32, #tpu.memory_space<vmem>>[vector<16xi32>, vector<16xi32>], vector<16xf32>,
      tpu.vector_store_idx %arg15[%add3A_441, %broadcast_in_dim3A_467], %gather3A_468 masked %ge3A_449 : memref<512x128xf32, #tpu.memory_space<vmem>>[vector<16xi32>, vector<16xi32>], vector<16xf32>, vector<16xi1>
      %broadcast_in_dim3A_469 = arith.constant 5 : i32
      %broadcast_in_dim3A_470 = vector.broadcast %broadcast_in_dim3A_469 : i32 to vector<16xi32>
      %gather3A_471 = tpu.vector_load_idx %arg14[%broadcast_in_dim3A_470, %max3A] : memref<32x64xf32, #tpu.memory_space<vmem>>[vector<16xi32>, vector<16xi32>], vector<16xf32>,
      tpu.vector_store_idx %arg15[%add3A_441, %broadcast_in_dim3A_470], %gather3A_471 masked %ge3A_449 : memref<512x128xf32, #tpu.memory_space<vmem>>[vector<16xi32>, vector<16xi32>], vector<16xf32>, vector<16xi1>
      %broadcast_in_dim3A_472 = arith.constant 6 : i32
      %broadcast_in_dim3A_473 = vector.broadcast %broadcast_in_dim3A_472 : i32 to vector<16xi32>
      %gather3A_474 = tpu.vector_load_idx %arg14[%broadcast_in_dim3A_473, %max3A] : memref<32x64xf32, #tpu.memory_space<vmem>>[vector<16xi32>, vector<16xi32>], vector<16xf32>,
      tpu.vector_store_idx %arg15[%add3A_441, %broadcast_in_dim3A_473], %gather3A_474 masked %ge3A_449 : memref<512x128xf32, #tpu.memory_space<vmem>>[vector<16xi32>, vector<16xi32>], vector<16xf32>, vector<16xi1>
      %broadcast_in_dim3A_475 = arith.constant 7 : i32
      %broadcast_in_dim3A_476 = vector.broadcast %broadcast_in_dim3A_475 : i32 to vector<16xi32>
      %gather3A_477 = tpu.vector_load_idx %arg14[%broadcast_in_dim3A_476, %max3A] : memref<32x64xf32, #tpu.memory_space<vmem>>[vector<16xi32>, vector<16xi32>], vector<16xf32>,
      tpu.vector_store_idx %arg15[%add3A_441, %broadcast_in_dim3A_476], %gather3A_477 masked %ge3A_449 : memref<512x128xf32, #tpu.memory_space<vmem>>[vector<16xi32>, vector<16xi32>], vector<16xf32>, vector<16xi1>
      %broadcast_in_dim3A_478 = arith.constant 8 : i32
      %broadcast_in_dim3A_479 = vector.broadcast %broadcast_in_dim3A_478 : i32 to vector<16xi32>
      %gather3A_480 = tpu.vector_load_idx %arg14[%broadcast_in_dim3A_479, %max3A] : memref<32x64xf32, #tpu.memory_space<vmem>>[vector<16xi32>, vector<16xi32>], vector<16xf32>,
      tpu.vector_store_idx %arg15[%add3A_441, %broadcast_in_dim3A_479], %gather3A_480 masked %ge3A_449 : memref<512x128xf32, #tpu.memory_space<vmem>>[vector<16xi32>, vector<16xi32>], vector<16xf32>, vector<16xi1>
      %broadcast_in_dim3A_481 = arith.constant 9 : i32
      %broadcast_in_dim3A_482 = vector.broadcast %broadcast_in_dim3A_481 : i32 to vector<16xi32>
      %gather3A_483 = tpu.vector_load_idx %arg14[%broadcast_in_dim3A_482, %max3A] : memref<32x64xf32, #tpu.memory_space<vmem>>[vector<16xi32>, vector<16xi32>], vector<16xf32>,
      tpu.vector_store_idx %arg15[%add3A_441, %broadcast_in_dim3A_482], %gather3A_483 masked %ge3A_449 : memref<512x128xf32, #tpu.memory_space<vmem>>[vector<16xi32>, vector<16xi32>], vector<16xf32>, vector<16xi1>
      %broadcast_in_dim3A_484 = arith.constant 10 : i32
      %broadcast_in_dim3A_485 = vector.broadcast %broadcast_in_dim3A_484 : i32 to vector<16xi32>
      %gather3A_486 = tpu.vector_load_idx %arg14[%broadcast_in_dim3A_485, %max3A] : memref<32x64xf32, #tpu.memory_space<vmem>>[vector<16xi32>, vector<16xi32>], vector<16xf32>,
      tpu.vector_store_idx %arg15[%add3A_441, %broadcast_in_dim3A_485], %gather3A_486 masked %ge3A_449 : memref<512x128xf32, #tpu.memory_space<vmem>>[vector<16xi32>, vector<16xi32>], vector<16xf32>, vector<16xi1>
      %broadcast_in_dim3A_487 = arith.constant 11 : i32
      %broadcast_in_dim3A_488 = vector.broadcast %broadcast_in_dim3A_487 : i32 to vector<16xi32>
      %gather3A_489 = tpu.vector_load_idx %arg14[%broadcast_in_dim3A_488, %max3A] : memref<32x64xf32, #tpu.memory_space<vmem>>[vector<16xi32>, vector<16xi32>], vector<16xf32>,
      tpu.vector_store_idx %arg15[%add3A_441, %broadcast_in_dim3A_488], %gather3A_489 masked %ge3A_449 : memref<512x128xf32, #tpu.memory_space<vmem>>[vector<16xi32>, vector<16xi32>], vector<16xf32>, vector<16xi1>
      %broadcast_in_dim3A_490 = arith.constant 12 : i32
      %broadcast_in_dim3A_491 = vector.broadcast %broadcast_in_dim3A_490 : i32 to vector<16xi32>
      %gather3A_492 = tpu.vector_load_idx %arg14[%broadcast_in_dim3A_491, %max3A] : memref<32x64xf32, #tpu.memory_space<vmem>>[vector<16xi32>, vector<16xi32>], vector<16xf32>,
      tpu.vector_store_idx %arg15[%add3A_441, %broadcast_in_dim3A_491], %gather3A_492 masked %ge3A_449 : memref<512x128xf32, #tpu.memory_space<vmem>>[vector<16xi32>, vector<16xi32>], vector<16xf32>, vector<16xi1>
      %broadcast_in_dim3A_493 = arith.constant 13 : i32
      %broadcast_in_dim3A_494 = vector.broadcast %broadcast_in_dim3A_493 : i32 to vector<16xi32>
      %gather3A_495 = tpu.vector_load_idx %arg14[%broadcast_in_dim3A_494, %max3A] : memref<32x64xf32, #tpu.memory_space<vmem>>[vector<16xi32>, vector<16xi32>], vector<16xf32>,
      tpu.vector_store_idx %arg15[%add3A_441, %broadcast_in_dim3A_494], %gather3A_495 masked %ge3A_449 : memref<512x128xf32, #tpu.memory_space<vmem>>[vector<16xi32>, vector<16xi32>], vector<16xf32>, vector<16xi1>
      %broadcast_in_dim3A_496 = arith.constant 14 : i32
      %broadcast_in_dim3A_497 = vector.broadcast %broadcast_in_dim3A_496 : i32 to vector<16xi32>
      %gather3A_498 = tpu.vector_load_idx %arg14[%broadcast_in_dim3A_497, %max3A] : memref<32x64xf32, #tpu.memory_space<vmem>>[vector<16xi32>, vector<16xi32>], vector<16xf32>,
      tpu.vector_store_idx %arg15[%add3A_441, %broadcast_in_dim3A_497], %gather3A_498 masked %ge3A_449 : memref<512x128xf32, #tpu.memory_space<vmem>>[vector<16xi32>, vector<16xi32>], vector<16xf32>, vector<16xi1>
      %broadcast_in_dim3A_499 = arith.constant 15 : i32
      %broadcast_in_dim3A_500 = vector.broadcast %broadcast_in_dim3A_499 : i32 to vector<16xi32>
      %gather3A_501 = tpu.vector_load_idx %arg14[%broadcast_in_dim3A_500, %max3A] : memref<32x64xf32, #tpu.memory_space<vmem>>[vector<16xi32>, vector<16xi32>], vector<16xf32>,
      tpu.vector_store_idx %arg15[%add3A_441, %broadcast_in_dim3A_500], %gather3A_501 masked %ge3A_449 : memref<512x128xf32, #tpu.memory_space<vmem>>[vector<16xi32>, vector<16xi32>], vector<16xf32>, vector<16xi1>
      %broadcast_in_dim3A_502 = arith.constant 16 : i32
      %broadcast_in_dim3A_503 = vector.broadcast %broadcast_in_dim3A_502 : i32 to vector<16xi32>
      %gather3A_504 = tpu.vector_load_idx %arg14[%broadcast_in_dim3A_503, %max3A] : memref<32x64xf32, #tpu.memory_space<vmem>>[vector<16xi32>, vector<16xi32>], vector<16xf32>,
      tpu.vector_store_idx %arg15[%add3A_441, %broadcast_in_dim3A_503], %gather3A_504 masked %ge3A_449 : memref<512x128xf32, #tpu.memory_space<vmem>>[vector<16xi32>, vector<16xi32>], vector<16xf32>, vector<16xi1>
      %broadcast_in_dim3A_505 = arith.constant 17 : i32
      %broadcast_in_dim3A_506 = vector.broadcast %broadcast_in_dim3A_505 : i32 to vector<16xi32>
      %gather3A_507 = tpu.vector_load_idx %arg14[%broadcast_in_dim3A_506, %max3A] : memref<32x64xf32, #tpu.memory_space<vmem>>[vector<16xi32>, vector<16xi32>], vector<16xf32>,
      tpu.vector_store_idx %arg15[%add3A_441, %broadcast_in_dim3A_506], %gather3A_507 masked %ge3A_449 : memref<512x128xf32, #tpu.memory_space<vmem>>[vector<16xi32>, vector<16xi32>], vector<16xf32>, vector<16xi1>
      %broadcast_in_dim3A_508 = arith.constant 18 : i32
      %broadcast_in_dim3A_509 = vector.broadcast %broadcast_in_dim3A_508 : i32 to vector<16xi32>
      %gather3A_510 = tpu.vector_load_idx %arg14[%broadcast_in_dim3A_509, %max3A] : memref<32x64xf32, #tpu.memory_space<vmem>>[vector<16xi32>, vector<16xi32>], vector<16xf32>,
      tpu.vector_store_idx %arg15[%add3A_441, %broadcast_in_dim3A_509], %gather3A_510 masked %ge3A_449 : memref<512x128xf32, #tpu.memory_space<vmem>>[vector<16xi32>, vector<16xi32>], vector<16xf32>, vector<16xi1>
      %broadcast_in_dim3A_511 = arith.constant 19 : i32
      %broadcast_in_dim3A_512 = vector.broadcast %broadcast_in_dim3A_511 : i32 to vector<16xi32>
      %gather3A_513 = tpu.vector_load_idx %arg14[%broadcast_in_dim3A_512, %max3A] : memref<32x64xf32, #tpu.memory_space<vmem>>[vector<16xi32>, vector<16xi32>], vector<16xf32>,
      tpu.vector_store_idx %arg15[%add3A_441, %broadcast_in_dim3A_512], %gather3A_513 masked %ge3A_449 : memref<512x128xf32, #tpu.memory_space<vmem>>[vector<16xi32>, vector<16xi32>], vector<16xf32>, vector<16xi1>
      %broadcast_in_dim3A_514 = arith.constant 20 : i32
      %broadcast_in_dim3A_515 = vector.broadcast %broadcast_in_dim3A_514 : i32 to vector<16xi32>
      %gather3A_516 = tpu.vector_load_idx %arg14[%broadcast_in_dim3A_515, %max3A] : memref<32x64xf32, #tpu.memory_space<vmem>>[vector<16xi32>, vector<16xi32>], vector<16xf32>,
      tpu.vector_store_idx %arg15[%add3A_441, %broadcast_in_dim3A_515], %gather3A_516 masked %ge3A_449 : memref<512x128xf32, #tpu.memory_space<vmem>>[vector<16xi32>, vector<16xi32>], vector<16xf32>, vector<16xi1>
      %broadcast_in_dim3A_517 = arith.constant 21 : i32
      %broadcast_in_dim3A_518 = vector.broadcast %broadcast_in_dim3A_517 : i32 to vector<16xi32>
      %gather3A_519 = tpu.vector_load_idx %arg14[%broadcast_in_dim3A_518, %max3A] : memref<32x64xf32, #tpu.memory_space<vmem>>[vector<16xi32>, vector<16xi32>], vector<16xf32>,
      tpu.vector_store_idx %arg15[%add3A_441, %broadcast_in_dim3A_518], %gather3A_519 masked %ge3A_449 : memref<512x128xf32, #tpu.memory_space<vmem>>[vector<16xi32>, vector<16xi32>], vector<16xf32>, vector<16xi1>
      %broadcast_in_dim3A_520 = arith.constant 22 : i32
      %broadcast_in_dim3A_521 = vector.broadcast %broadcast_in_dim3A_520 : i32 to vector<16xi32>
      %gather3A_522 = tpu.vector_load_idx %arg14[%broadcast_in_dim3A_521, %max3A] : memref<32x64xf32, #tpu.memory_space<vmem>>[vector<16xi32>, vector<16xi32>], vector<16xf32>,
      tpu.vector_store_idx %arg15[%add3A_441, %broadcast_in_dim3A_521], %gather3A_522 masked %ge3A_449 : memref<512x128xf32, #tpu.memory_space<vmem>>[vector<16xi32>, vector<16xi32>], vector<16xf32>, vector<16xi1>
      %broadcast_in_dim3A_523 = arith.constant 23 : i32
      %broadcast_in_dim3A_524 = vector.broadcast %broadcast_in_dim3A_523 : i32 to vector<16xi32>
      %gather3A_525 = tpu.vector_load_idx %arg14[%broadcast_in_dim3A_524, %max3A] : memref<32x64xf32, #tpu.memory_space<vmem>>[vector<16xi32>, vector<16xi32>], vector<16xf32>,
      tpu.vector_store_idx %arg15[%add3A_441, %broadcast_in_dim3A_524], %gather3A_525 masked %ge3A_449 : memref<512x128xf32, #tpu.memory_space<vmem>>[vector<16xi32>, vector<16xi32>], vector<16xf32>, vector<16xi1>
      %broadcast_in_dim3A_526 = arith.constant 24 : i32
      %broadcast_in_dim3A_527 = vector.broadcast %broadcast_in_dim3A_526 : i32 to vector<16xi32>
      %gather3A_528 = tpu.vector_load_idx %arg14[%broadcast_in_dim3A_527, %max3A] : memref<32x64xf32, #tpu.memory_space<vmem>>[vector<16xi32>, vector<16xi32>], vector<16xf32>,
      tpu.vector_store_idx %arg15[%add3A_441, %broadcast_in_dim3A_527], %gather3A_528 masked %ge3A_449 : memref<512x128xf32, #tpu.memory_space<vmem>>[vector<16xi32>, vector<16xi32>], vector<16xf32>, vector<16xi1>
      %broadcast_in_dim3A_529 = arith.constant 25 : i32
      %broadcast_in_dim3A_530 = vector.broadcast %broadcast_in_dim3A_529 : i32 to vector<16xi32>
      %gather3A_531 = tpu.vector_load_idx %arg14[%broadcast_in_dim3A_530, %max3A] : memref<32x64xf32, #tpu.memory_space<vmem>>[vector<16xi32>, vector<16xi32>], vector<16xf32>,
      tpu.vector_store_idx %arg15[%add3A_441, %broadcast_in_dim3A_530], %gather3A_531 masked %ge3A_449 : memref<512x128xf32, #tpu.memory_space<vmem>>[vector<16xi32>, vector<16xi32>], vector<16xf32>, vector<16xi1>
      %broadcast_in_dim3A_532 = arith.constant 26 : i32
      %broadcast_in_dim3A_533 = vector.broadcast %broadcast_in_dim3A_532 : i32 to vector<16xi32>
      %gather3A_534 = tpu.vector_load_idx %arg14[%broadcast_in_dim3A_533, %max3A] : memref<32x64xf32, #tpu.memory_space<vmem>>[vector<16xi32>, vector<16xi32>], vector<16xf32>,
      tpu.vector_store_idx %arg15[%add3A_441, %broadcast_in_dim3A_533], %gather3A_534 masked %ge3A_449 : memref<512x128xf32, #tpu.memory_space<vmem>>[vector<16xi32>, vector<16xi32>], vector<16xf32>, vector<16xi1>
      %broadcast_in_dim3A_535 = arith.constant 27 : i32
      %broadcast_in_dim3A_536 = vector.broadcast %broadcast_in_dim3A_535 : i32 to vector<16xi32>
      %gather3A_537 = tpu.vector_load_idx %arg14[%broadcast_in_dim3A_536, %max3A] : memref<32x64xf32, #tpu.memory_space<vmem>>[vector<16xi32>, vector<16xi32>], vector<16xf32>,
      tpu.vector_store_idx %arg15[%add3A_441, %broadcast_in_dim3A_536], %gather3A_537 masked %ge3A_449 : memref<512x128xf32, #tpu.memory_space<vmem>>[vector<16xi32>, vector<16xi32>], vector<16xf32>, vector<16xi1>
      %broadcast_in_dim3A_538 = arith.constant 28 : i32
      %broadcast_in_dim3A_539 = vector.broadcast %broadcast_in_dim3A_538 : i32 to vector<16xi32>
      %gather3A_540 = tpu.vector_load_idx %arg14[%broadcast_in_dim3A_539, %max3A] : memref<32x64xf32, #tpu.memory_space<vmem>>[vector<16xi32>, vector<16xi32>], vector<16xf32>,
      tpu.vector_store_idx %arg15[%add3A_441, %broadcast_in_dim3A_539], %gather3A_540 masked %ge3A_449 : memref<512x128xf32, #tpu.memory_space<vmem>>[vector<16xi32>, vector<16xi32>], vector<16xf32>, vector<16xi1>
      %broadcast_in_dim3A_541 = arith.constant 29 : i32
      %broadcast_in_dim3A_542 = vector.broadcast %broadcast_in_dim3A_541 : i32 to vector<16xi32>
      %gather3A_543 = tpu.vector_load_idx %arg14[%broadcast_in_dim3A_542, %max3A] : memref<32x64xf32, #tpu.memory_space<vmem>>[vector<16xi32>, vector<16xi32>], vector<16xf32>,
      tpu.vector_store_idx %arg15[%add3A_441, %broadcast_in_dim3A_542], %gather3A_543 masked %ge3A_449 : memref<512x128xf32, #tpu.memory_space<vmem>>[vector<16xi32>, vector<16xi32>], vector<16xf32>, vector<16xi1>
      %broadcast_in_dim3A_544 = arith.constant 30 : i32
      %broadcast_in_dim3A_545 = vector.broadcast %broadcast_in_dim3A_544 : i32 to vector<16xi32>
      %gather3A_546 = tpu.vector_load_idx %arg14[%broadcast_in_dim3A_545, %max3A] : memref<32x64xf32, #tpu.memory_space<vmem>>[vector<16xi32>, vector<16xi32>], vector<16xf32>,
      tpu.vector_store_idx %arg15[%add3A_441, %broadcast_in_dim3A_545], %gather3A_546 masked %ge3A_449 : memref<512x128xf32, #tpu.memory_space<vmem>>[vector<16xi32>, vector<16xi32>], vector<16xf32>, vector<16xi1>
      %broadcast_in_dim3A_547 = arith.constant 31 : i32
      %broadcast_in_dim3A_548 = vector.broadcast %broadcast_in_dim3A_547 : i32 to vector<16xi32>
      %gather3A_549 = tpu.vector_load_idx %arg14[%broadcast_in_dim3A_548, %max3A] : memref<32x64xf32, #tpu.memory_space<vmem>>[vector<16xi32>, vector<16xi32>], vector<16xf32>,
      tpu.vector_store_idx %arg15[%add3A_441, %broadcast_in_dim3A_548], %gather3A_549 masked %ge3A_449 : memref<512x128xf32, #tpu.memory_space<vmem>>[vector<16xi32>, vector<16xi32>], vector<16xf32>, vector<16xi1>
      %scan3A_550 = arith.constant 0 : i32
      scf.yield %scan3A_550 : i32
    }
    %scan3A_435 = arith.constant 32 : i32
    "tpu.region"() ({
      %run_scoped3A = tpu.sem_alloc : memref<!tpu.dma_semaphore, #tpu.memory_space<semaphore_mem>>
      %dma_start3A_436 = arith.constant 0 : i32
      %dma_start3A_437 = tpu.memref_slice %arg4[%mul3A_2, %dma_start3A_436] : memref<16384x128xf32, #tpu.memory_space<hbm>> -> memref<512x128xf32, #tpu.memory_space<hbm>>
      %dma_start3A_438 = arith.constant 0 : i32
      %dma_start3A_439 = tpu.memref_slice %arg4[%mul3A_2, %dma_start3A_438] : memref<16384x128xf32, #tpu.memory_space<hbm>> -> memref<512x128xf32, #tpu.memory_space<hbm>>
      tpu.enqueue_dma source(%arg15 : memref<512x128xf32, #tpu.memory_space<vmem>>) target(%dma_start3A_439 : memref<512x128xf32, #tpu.memory_space<hbm>>) target_semaphore(%run_scoped3A : memref<!tpu.dma_semaphore, #tpu.memory_space<semaphore_mem>>)
      %dma_wait3A_440 = arith.constant 0 : i32
      %dma_wait3A_441 = tpu.memref_slice %arg4[%mul3A_2, %dma_wait3A_440] : memref<16384x128xf32, #tpu.memory_space<hbm>> -> memref<512x128xf32, #tpu.memory_space<hbm>>
      %dma_wait3A_442 = arith.constant 0 : i32
      %dma_wait3A_443 = tpu.memref_slice %arg4[%mul3A_2, %dma_wait3A_442] : memref<16384x128xf32, #tpu.memory_space<hbm>> -> memref<512x128xf32, #tpu.memory_space<hbm>>
      tpu.wait_dma2 semaphore(%run_scoped3A : memref<!tpu.dma_semaphore, #tpu.memory_space<semaphore_mem>>) src(%arg15 : memref<512x128xf32, #tpu.memory_space<vmem>>) dst(%dma_wait3A_443 : memref<512x128xf32, #tpu.memory_space<hbm>>)
      tpu.yield
    }) : () -> ()
    return
  }
}

</mosaic_0001>

<sc_bundles>
// kernel: kernel.3.cloned.1.call-start
scs
__scs_entry_jumppad:
0x0: {  	(pc) =	sbr.rel $0x88, $3  }
0x1: {  	(tag) =	ssettag $0x0;
	lr =	simm.s32 $0x1  }
0x2: {  	[smem:$0x3F9F] =	sst lr;
	_ =	strace $0xD0000000  }
0x3: {  	_ = 	snop  }
0x4: {  	_ = 	snop  }
0x5: {  	_ = 	snop  }
0x6: {  	_ = 	snop  }
0x7: {  	_ = 	snop  }
__scs_overlays_trampoline_lowered:
0x8: {  	[smem:$0x3FAE] =	sst s0  }
0x9: {  	[smem:$0x3FAF] =	sst s1  }
0xa: {  	[smem:$0x3FB0] =	sst s2  }
0xb: {  	[smem:$0x3FB1] =	sst s3  }
0xc: {  	[smem:$0x3FB2] =	sst s4  }
0xd: {  	[smem:$0x3FB3] =	sst s5  }
0xe: {  	[smem:$0x3FB4] =	sst s6  }
0xf: {  	[smem:$0x3FB5] =	sst s7  }
0x10: {  	[smem:$0x3FB6] =	sst s8  }
0x11: {  	[smem:$0x3FB7] =	sst s9;
	s0 =	simm.s32 @!p0 $0x0  }
0x12: {  	s1 =	sld [smem:$0x3F9D];
	s0 =	simm.s32 @p0 $0x1  }
0x13: {  	[smem:$0x3FB8] =	sst s0;
	s0 =	simm.s32 @!p1 $0x0  }
0x14: {  	s2 =	sld [smem:$0x3F9C];
	s0 =	simm.s32 @p1 $0x1  }
0x15: {  	[smem:$0x3FB9] =	sst s0;
	s0 =	simm.s32 @!p2 $0x0  }
0x16: {  	s3 =	sld [smem:$0x3FDB];
	s0 =	simm.s32 @p2 $0x1  }
0x17: {  	s4 =	simm.s32 $0x1BF5;
	[smem:$0x3FBB] =	sst s0  }
0x18: {  	s0 =	sld [smem:$0x3F9E];
	_ =	swait.ge [sflag:s4], $0x0  }
0x19: {  	s7 =	sld [smem:$0x3F9F]  }
0x1a: {  	s8 =	sadd.s32 $0xFFFFE003, lr  }
0x1b: {  	s9 =	sadd.s32 $0xFFFFFEF7, lr;
	s5 =	simm.s32 $0xFFFFFFFF;
	p2 =	slt.u32 s8, $0xFFFFF086  }
0x1c: {  	p1 =	slt.u32 s9, $0xF7A;
	s5 =	simm.s32 @!p2 $0x0  }
0x1d: {  	s5 =	simm.s32 @p1 $0x1;
	p0 =	seq.s32 s7, s2  }
0x1e: {  	s7 =	smul.u32 @!p0 $0xF7A, s2;
	p2 =	seq.s32 @!p0 s5, $0x0  }
0x1f: {  	s9 =	smul.u32 $0xF7A, s1;
	s8 =	simm.s32 @!p0 $0x1BF5;
	p2 =	por !p2, p0  }
0x20: {  	[sflag:s8] =	ssyncset.s32 @!p0 $0xFFFFF086;
	s6 =	sadd.s32 @!p0 s3, s7;
	s7 =	simm.s32 @!p0 $0x108  }
0x21: {  	s3 =	sadd.s32 s3, s9;
	s6 =	sadd.s32 @!p0 $0x88, s6;
	s7 =	simm.s32 @p2 $0x1082  }
0x22: {  	[simem:s7], [sflag:s8] =	dma.local @!p0 [hbm:s6], $0xF7A  }
0x23: {  	s9 =	sor.u32 $0xD0000000, s2;
	s6 =	simm.s32 $0x108;
	_ =	swait.ge @!p0 [sflag:s8], $0x0  }
0x24: {  	s3 =	sadd.s32 $0x88, s3;
	s6 =	simm.s32 @!p1 $0x1082;
	[sflag:s4] =	ssyncset.s32 $0xFFFFF086  }
0x25: {  	[simem:s6], [sflag:s4] =	dma.local [hbm:s3], $0xF7A  }
0x26: {  	[smem:$0x3F9F] =	sst s1;
	(tag) =	ssettag s2;
	_ =	strace s9  }
0x27: {  	s1 =	sld [smem:$0x3FAF]  }
0x28: {  	s2 =	sld [smem:$0x3FB0]  }
0x29: {  	s4 =	sld [smem:$0x3FB2]  }
0x2a: {  	p0 =	seq.s32 s5, $0x0;
	s5 =	sld [smem:$0x3FB3]  }
0x2b: {  	s6 =	sld [smem:$0x3FB4]  }
0x2c: {  	s7 =	sld [smem:$0x3FB5]  }
0x2d: {  	s3 =	simm.s32 $0x108;
	s8 =	sld [smem:$0x3FB6]  }
0x2e: {  	s3 =	simm.s32 @!p0 $0x1082;
	s9 =	sld [smem:$0x3FB7]  }
0x2f: {  	lr =	sadd.s32 s0, s3;
	s0 =	sld [smem:$0x3FAE]  }
0x30: {  	s3 =	sld [smem:$0x3FB1]  }
0x31: {  	[smem:$0x3FBA] =	sst s10  }
0x32: {  	s10 =	sld [smem:$0x3FB8];
	_ =	sdelay $0x3  }
0x33: {  	p0 =	seq.s32 s10, $0x1;
	s10 =	sld [smem:$0x3FBA];
	_ =	sdelay $0x3  }
0x34: {  	[smem:$0x3FBA] =	sst s10  }
0x35: {  	s10 =	sld [smem:$0x3FB9];
	_ =	sdelay $0x3  }
0x36: {  	p1 =	seq.s32 s10, $0x1;
	s10 =	sld [smem:$0x3FBA];
	_ =	sdelay $0x3  }
0x37: {  	[smem:$0x3FBA] =	sst s10  }
0x38: {  	s10 =	sld [smem:$0x3FBB]  }
0x39: {  	_ = 	snop;
	(pc) =	sbr.ind lr, $3  }
0x3a: {  	_ = 	snop  }
0x3b: {  	_ = 	snop  }
0x3c: {  	p2 =	seq.s32 s10, $0x1;
	s10 =	sld [smem:$0x3FBA]  }
0x3d: {  	_ =	shalt  }
0x3e: {  	_ =	shalt  }
0x3f: {  	_ =	shalt  }
0x40: {  	_ =	shalt  }
0x41: {  	_ =	shalt  }
0x42: {  	_ =	shalt  }
0x43: {  	_ =	shalt  }
0x44: {  	_ =	shalt  }
0x45: {  	_ =	shalt  }
0x46: {  	_ =	shalt  }
0x47: {  	_ =	shalt  }
0x48: {  	_ =	shalt  }
0x49: {  	_ =	shalt  }
0x4a: {  	_ =	shalt  }
0x4b: {  	_ =	shalt  }
0x4c: {  	_ =	shalt  }
0x4d: {  	_ =	shalt  }
0x4e: {  	_ =	shalt  }
0x4f: {  	_ =	shalt  }
0x50: {  	_ =	shalt  }
0x51: {  	_ =	shalt  }
0x52: {  	_ =	shalt  }
0x53: {  	_ =	shalt  }
0x54: {  	_ =	shalt  }
0x55: {  	_ =	shalt  }
0x56: {  	_ =	shalt  }
0x57: {  	_ =	shalt  }
0x58: {  	_ =	shalt  }
0x59: {  	_ =	shalt  }
0x5a: {  	_ =	shalt  }
0x5b: {  	_ =	shalt  }
0x5c: {  	_ =	shalt  }
0x5d: {  	_ =	shalt  }
0x5e: {  	_ =	shalt  }
0x5f: {  	_ =	shalt  }
0x60: {  	_ =	shalt  }
0x61: {  	_ =	shalt  }
0x62: {  	_ =	shalt  }
0x63: {  	_ =	shalt  }
0x64: {  	_ =	shalt  }
0x65: {  	_ =	shalt  }
0x66: {  	_ =	shalt  }
0x67: {  	_ =	shalt  }
0x68: {  	_ =	shalt  }
0x69: {  	_ =	shalt  }
0x6a: {  	_ =	shalt  }
0x6b: {  	_ =	shalt  }
0x6c: {  	_ =	shalt  }
0x6d: {  	_ =	shalt  }
0x6e: {  	_ =	shalt  }
0x6f: {  	_ =	shalt  }
0x70: {  	_ =	shalt  }
0x71: {  	_ =	shalt  }
0x72: {  	_ =	shalt  }
0x73: {  	_ =	shalt  }
0x74: {  	_ =	shalt  }
0x75: {  	_ =	shalt  }
0x76: {  	_ =	shalt  }
0x77: {  	_ =	shalt  }
0x78: {  	_ =	shalt  }
0x79: {  	_ =	shalt  }
0x7a: {  	_ =	shalt  }
0x7b: {  	_ =	shalt  }
0x7c: {  	_ =	shalt  }
0x7d: {  	_ =	shalt  }
0x7e: {  	_ =	shalt  }
0x7f: {  	_ =	shalt  }
0x80: {  	_ =	shalt  }
0x81: {  	_ =	shalt  }
0x82: {  	_ =	shalt  }
0x83: {  	_ =	shalt  }
0x84: {  	_ =	shalt  }
0x85: {  	_ =	shalt  }
0x86: {  	_ =	shalt  }
0x87: {  	_ =	shalt  }
.Lfunc_end0:
.L_simem_size_0:
called_computation_lowered:
.L_overlay_start_0:
0x88: {  	s2 =	sld [smem:$0x3FD9]  }
0x89: {  	s3 =	sld [smem:$0x3FFE];
	_ =	sdelay $0x1  }
0x8a: {  	s1 =	srdreg.scid  }
0x8b: {  	s0 =	sand.u32 $0x1, s1  }
0x8c: {  	s17 =	sshll.u32 s0, $0xA;
	s2 =	sadd.s32 s3, s2  }
0x8d: {  	s2 =	sadd.s32 s2, s17  }
0x8e: {  	[smem:$0x3FC6] =	sst s2  }
0x8f: {  	_ = 	snop  }
0x90: {  	s2 =	sld [smem:$0x3FC8]  }
0x91: {  	s18 =	sld [smem:$0x3FD0];
	(tm) =	ssettm $0x1  }
0x92: {  	s4 =	sld [smem:$0x3FFB];
	_ =	sdelay $0x3  }
0x93: {  	_ =	strace s4  }
0x94: {  	s4 =	sld [smem:$0x3FFC];
	_ =	sdelay $0x3  }
0x95: {  	_ =	strace s4  }
0x96: {  	s4 =	sld [smem:$0x3FFD];
	_ =	sdelay $0x3  }
0x97: {  	_ =	strace s4  }
0x98: {  	_ =	strace $0x8FFFFFFF  }
0x99: {  	s19 =	sld [smem:$0x3FDB];
	_ =	sdelay $0x1  }
0x9a: {  	s5 =	simm.s32 $_scs_section_size  }
0x9b: {  	s6 =	simm.s32 $_size__tile_overlayer_lowered;
	s7 =	simm.s32 $_tile_overlayer_lowered  }
0x9c: {  	s22 =	simm.s32 $0x1BFF;
	s21 =	sshll.u32 s7, $0x1;
	s4 =	sadd.s32 s5, s19  }
0x9d: {  	s8 =	simm.s32 $0x0;
	s20 =	sshll.u32 s6, $0x1;
	s6 =	sadd.s32 s21, s4  }
0x9e: {  	[timem:s8], [sflag:s22] =	dma.local [hbm:s6], s20  }
0x9f: {  	_ =	swait.ge [sflag:s22], s20  }
0xa0: {  	s5 =	ssub.s32 $0x0, s20;
	[sflag:s22] =	ssyncset.done $0x0  }
0xa1: {  	[sflag:s22] =	ssyncadd.s32 s5;
	_ =	sdelay $0x1  }
0xa2: {  	s23 =	simm.s32 $0x1B8B  }
0xa3: {  	_ =	swait.ge [sflag:s23], $0x1  }
0xa4: {  	[sflag:s23] =	ssyncset.done $0x0  }
0xa5: {  	s25 =	simm.s32 $0x1B8E;
	s24 =	sld [smem:$0x3FFE];
	[sflag:s23] =	ssyncadd.s32 $0xFFFFFFFF  }
0xa6: {  	s26 =	simm.s32 $execute0_lowered;
	[smem:$0x3FD2] =	sst s25  }
0xa7: {  	s6 =	sshll.u32 s26, $0x1;
	_ =	strace $0x80000046;
	[dreg:$0x1] =	wrdreg $0xFFFFFFFF  }
0xa8: {  	s28 =	simm.s32 $_size_execute0_lowered;
	s4 =	sadd.s32 s4, s6;
	[dreg:$0x0] =	wrdreg $0x0  }
0xa9: {  	s6 =	sshll.u32 s28, $0x1;
	[dreg:$0x2] =	wrdreg s4  }
0xaa: {  	[dreg:$0x3] =	wrdreg s6  }
0xab: {  	[dreg:$0x4] =	wrdreg $0xC0  }
0xac: {  	_ =	task [dreg:s8], $0x5FFFF  }
0xad: {  	[dreg:$0x1] =	wrdreg $0xFFFFFFFF  }
0xae: {  	[dreg:$0x0] =	wrdreg $0x60  }
0xaf: {  	[dreg:$0x2] =	wrdreg s18  }
0xb0: {  	[dreg:$0x3] =	wrdreg s2  }
0xb1: {  	[dreg:$0x4] =	wrdreg s24  }
0xb2: {  	[dreg:$0x5] =	wrdreg $0x9  }
0xb3: {  	_ =	task.clear_ibuf [dreg:s8], $0x6FFFF;
	_ =	strace $0x90000046  }
0xb4: {  	s29 =	simm.s32 $0x9;
	_ =	strace $0x80000048  }
0xb5: {  	_ =	swait.ge [sflag:s29], $0x1  }
0xb6: {  	[sflag:s29] =	ssyncadd.s32 $0xFFFFFFFF  }
0xb7: {  	_ =	strace $0x90000048  }
0xb8: {  	_ =	sfence  }
0xb9: {  	s30 =	sld [smem:$0x0];
	_ =	sdelay $0x2  }
0xba: {  	s31 =	sshll.u32 s1, $0xD;
	s1 =	sshrl.u32 s1, $0x2  }
0xbb: {  	s3 =	sand.u32 $0x4000, s31;
	s1 =	sadd.s32 s1, s30  }
0xbc: {  	s0 =	sor.u32 s3, s0;
	s1 =	sshll.u32 s1, $0x11  }
0xbd: {  	s0 =	sor.u32 s1, s0  }
0xbe: {  	s0 =	sadd.s32 $0x8F2B, s0  }
0xbf: {  	[sflag:s0] =	ssyncadd.remote.s32 $0x1  }
0xc0: {  	_ =	sfence.sel $0xFFFF  }
0xc1: {  	[dreg:$0x0] =	wrdreg $0xFFFFFFFF;
	(pc) =	sbr.abs _section_cstart, $3  }
0xc2: {  	[dreg:$0x1] =	wrdreg $0xFFFFFFFF  }
0xc3: {  	_ =	task.clear_ibuf [dreg:s8], $0x2FFFF;
	_ =	strace $0x9FFFFFFF  }
0xc4: {  	(tm) =	ssettm $0x7FFFFFFF  }
0xc5: {  	_ =	shalt  }
tec
execute0_lowered:
.L_overlay_start_1:
0x0: {  	(tag) =	ssettag $0x1  }
0x1: {  	s0 =	rddreg [dreg:$0x0]  }
0x2: {  	s11 =	rddreg [dreg:$0x1]  }
0x3: {  	s1 =	rddreg [dreg:$0x2];
	s3 =	srdreg.scid  }
0x4: {  	s6 =	stileid.u32;
	s8 =	simm.s32 $0x0;
	s9 =	simm.s32 $0x400  }
0x5: {  	s2 =	simm.s32 $0x7A1400;
	s21 =	simm.s32 $0x200;
	s10 =	simm.s32 $0x5200  }
0x6: {  	s12 =	simm.s32 $0x6200;
	s13 =	simm.s32 $0x7200;
	s29 =	simm.s32 $0x8200  }
0x7: {  	s31 =	simm.s32 $0x9200;
	s22 =	simm.s32 $0x400;
	s28 =	simm.s32 $0x2  }
0x8: {  	s23 =	simm.s32 $0x3;
	s24 =	simm.s32 $0x4;
	s3 =	sand.u32 $0x1, s3  }
0x9: {  	s4 =	sshll.u32 s6, $0x1;
	[smem:$0x7FF] =	sst s8;
	s6 =	sshll.u32 s6, $0x7  }
0xa: {  	s25 =	sadd.s32 $0xF4200, s11;
	s4 =	sor.u32 s3, s4;
	_ =	strace $0x80000047  }
0xb: {  	s3 =	ssub.s32 $0x2, s3;
	s6 =	sand.u32 $0x600, s6;
	[dreg:$0x5] =	wrdreg s25  }
0xc: {  	s25 =	simm.s32 $0x5;
	s5 =	sshll.u32 s4, $0xD;
	s4 =	sshll.u32 s4, $0x4  }
0xd: {  	s7 =	sshrl.u32 s3, $0x1;
	s0 =	sadd.s32 s0, s6;
	s6 =	simm.s32 $0x3200  }
0xe: {  	s4 =	sand.u32 $0x70, s4;
	s1 =	sadd.s32 s5, s1;
	s3 =	ssub.s32 s3, s7  }
0xf: {  	vm0 =	vmmov $0x1;
	v0 =	vlaneseq.u32;
	s5 =	simm.s32 $0x2200;
	s7 =	simm.s32 $0x4200;
	s0 =	sadd.s32 s4, s0  }
0x10: {  	vm1 =	vcmask $0x308;
	vm2 =	vcmask $0x70C;
	v1 =	vmul.u32 $0x80, v0;
	s26 =	sadd.s32 $0x400, s1;
	s30 =	smax.u32 s3, $0x1;
	[dreg:$0x4] =	wrdreg s0  }
0x11: {  	vm3 =	vcmask $0xB10;
	vm4 =	vcmask $0xF14;
	vm5 =	vcmask $0x1318;
	s3 =	simm.s32 $0xA;
	s4 =	simm.s32 $0x1200;
	[dreg:$0x6] =	wrdreg s26  }
0x12: {  	vm6 =	vcmask $0x171C;
	vm7 =	vcmask $0x1B20;
	v2 =	vor.u32 $0x800, v1;
	s1 =	simm.s32 $0x0;
	[dreg:$0x7] =	wrdreg s30;
	s26 =	simm.s32 $0x7200  }
.LBB2_1:
0x13: {  	[dreg:$0x8] =	wrdreg s1  }
0x14: {  	s0 =	rddreg [dreg:$0x4];
	s20 =	simm.s32 $0x80  }
0x15: {  	[tilespmem:s8], [sflag:$0xA] =	stream.strided.gather [hbm4b:s0+s20], $0x200, s9, s20, $0x38;
	[tilespmem:$0x19200] =	vst v63  }
0x16: {  	_ =	swait.ge [sflag:s3], $0x200  }
0x17: {  	[sflag:s3] =	ssyncset.done $0x0  }
0x18: {  	[sflag:s3] =	ssyncadd.s32 $0xFFFFFE00  }
0x19: {  	v3 =	vld [tilespmem:$0x0];
	_ =	sdelay $0x4  }
0x1a: {  	v3 =	vnsel vm0, $0x0, v3  }
0x1b: {  	v3 =	vxor.u32 $0x80000000, v3  }
0x1c: {  	(xrf0) =	vmax.scan.msk.u32 $0xffff, v3;
	_ =	sdelay $0x5  }
0x1d: {  	v3, _, _ =	vpop (xrf0)  }
0x1e: {  	(v2sf) =	vpush v3, $0xF;
	_ =	sdelay $0xe  }
0x1f: {  	s3 =	spop (v2sf)  }
0x20: {  	s1 =	sxor.u32 $0x80000000, s3  }
0x21: {  	s0 =	sshrl.u32 s1, $0x7  }
0x22: {  	s0 =	smin.u32 s0, $0x1E83  }
0x23: {  	s0 =	sshll.u32 s0, $0x7  }
0x24: {  	s0 =	sadd.s32 s11, s0  }
0x25: {  	[tilespmem:s21], [sflag:$0x1] =	stream.strided.gather [hbm4b:s0+s9], $0x1000, s2, s9, $0x38;
	[tilespmem:$0x19200] =	vst v63  }
0x26: {  	v3 =	vld [tilespmem:$0x0];
	_ =	sdelay $0x4  }
0x27: {  	v3 =	vsel vm1, $0x0, v3  }
0x28: {  	v3 =	vxor.u32 $0x80000000, v3  }
0x29: {  	(xrf0) =	vmax.scan.msk.u32 $0xffff, v3;
	_ =	sdelay $0x5  }
0x2a: {  	v3, _, _ =	vpop (xrf0)  }
0x2b: {  	(v2sf) =	vpush v3, $0xF;
	_ =	sdelay $0xe  }
0x2c: {  	s8 =	spop (v2sf)  }
0x2d: {  	s8 =	sxor.u32 $0x80000000, s8  }
0x2e: {  	s0 =	sshrl.u32 s8, $0x7  }
0x2f: {  	s0 =	smin.u32 s0, $0x1E83  }
0x30: {  	s0 =	sshll.u32 s0, $0x7  }
0x31: {  	s0 =	sadd.s32 s11, s0  }
0x32: {  	[tilespmem:s4], [sflag:$0x2] =	stream.strided.gather [hbm4b:s0+s9], $0x1000, s2, s9, $0x38;
	[tilespmem:$0x19200] =	vst v63  }
0x33: {  	v3 =	vld [tilespmem:$0x0];
	_ =	sdelay $0x4  }
0x34: {  	v3 =	vsel vm2, $0x0, v3  }
0x35: {  	v3 =	vxor.u32 $0x80000000, v3  }
0x36: {  	(xrf0) =	vmax.scan.msk.u32 $0xffff, v3;
	_ =	sdelay $0x5  }
0x37: {  	v3, _, _ =	vpop (xrf0)  }
0x38: {  	(v2sf) =	vpush v3, $0xF;
	_ =	sdelay $0xe  }
0x39: {  	s14 =	spop (v2sf)  }
0x3a: {  	s3 =	sxor.u32 $0x80000000, s14  }
0x3b: {  	s0 =	sshrl.u32 s3, $0x7  }
0x3c: {  	s0 =	smin.u32 s0, $0x1E83  }
0x3d: {  	s0 =	sshll.u32 s0, $0x7  }
0x3e: {  	s0 =	sadd.s32 s11, s0  }
0x3f: {  	[tilespmem:s5], [sflag:$0x3] =	stream.strided.gather [hbm4b:s0+s9], $0x1000, s2, s9, $0x38;
	[tilespmem:$0x19200] =	vst v63  }
0x40: {  	v3 =	vld [tilespmem:$0x0];
	_ =	sdelay $0x4  }
0x41: {  	v3 =	vsel vm3, $0x0, v3  }
0x42: {  	v3 =	vxor.u32 $0x80000000, v3  }
0x43: {  	(xrf0) =	vmax.scan.msk.u32 $0xffff, v3;
	_ =	sdelay $0x5  }
0x44: {  	v3, _, _ =	vpop (xrf0)  }
0x45: {  	(v2sf) =	vpush v3, $0xF;
	_ =	sdelay $0xe  }
0x46: {  	s15 =	spop (v2sf)  }
0x47: {  	s4 =	sxor.u32 $0x80000000, s15  }
0x48: {  	s0 =	sshrl.u32 s4, $0x7  }
0x49: {  	s0 =	smin.u32 s0, $0x1E83  }
0x4a: {  	s0 =	sshll.u32 s0, $0x7  }
0x4b: {  	s0 =	sadd.s32 s11, s0  }
0x4c: {  	[tilespmem:s6], [sflag:$0x4] =	stream.strided.gather [hbm4b:s0+s9], $0x1000, s2, s9, $0x38;
	[tilespmem:$0x19200] =	vst v63  }
0x4d: {  	v3 =	vld [tilespmem:$0x0];
	_ =	sdelay $0x4  }
0x4e: {  	v3 =	vsel vm4, $0x0, v3  }
0x4f: {  	v3 =	vxor.u32 $0x80000000, v3  }
0x50: {  	(xrf0) =	vmax.scan.msk.u32 $0xffff, v3;
	_ =	sdelay $0x5  }
0x51: {  	v3, _, _ =	vpop (xrf0)  }
0x52: {  	(v2sf) =	vpush v3, $0xF;
	_ =	sdelay $0xe  }
0x53: {  	s16 =	spop (v2sf)  }
0x54: {  	s5 =	sxor.u32 $0x80000000, s16  }
0x55: {  	s0 =	sshrl.u32 s5, $0x7  }
0x56: {  	s0 =	smin.u32 s0, $0x1E83  }
0x57: {  	s0 =	sshll.u32 s0, $0x7  }
0x58: {  	s0 =	sadd.s32 s11, s0  }
0x59: {  	[tilespmem:s7], [sflag:$0x5] =	stream.strided.gather [hbm4b:s0+s9], $0x1000, s2, s9, $0x38;
	[tilespmem:$0x19200] =	vst v63  }
0x5a: {  	v3 =	vld [tilespmem:$0x0];
	_ =	sdelay $0x4  }
0x5b: {  	v3 =	vsel vm5, $0x0, v3  }
0x5c: {  	v3 =	vxor.u32 $0x80000000, v3  }
0x5d: {  	(xrf0) =	vmax.scan.msk.u32 $0xffff, v3;
	_ =	sdelay $0x5  }
0x5e: {  	v3, _, _ =	vpop (xrf0)  }
0x5f: {  	(v2sf) =	vpush v3, $0xF;
	_ =	sdelay $0xe  }
0x60: {  	s17 =	spop (v2sf)  }
0x61: {  	s6 =	sxor.u32 $0x80000000, s17  }
0x62: {  	s0 =	sshrl.u32 s6, $0x7  }
0x63: {  	s0 =	smin.u32 s0, $0x1E83  }
0x64: {  	s0 =	sshll.u32 s0, $0x7  }
0x65: {  	s0 =	sadd.s32 s11, s0  }
0x66: {  	[tilespmem:s10], [sflag:$0x6] =	stream.strided.gather [hbm4b:s0+s9], $0x1000, s2, s9, $0x38;
	[tilespmem:$0x19200] =	vst v63  }
0x67: {  	v3 =	vld [tilespmem:$0x0];
	_ =	sdelay $0x4  }
0x68: {  	v3 =	vsel vm6, $0x0, v3  }
0x69: {  	v3 =	vxor.u32 $0x80000000, v3  }
0x6a: {  	(xrf0) =	vmax.scan.msk.u32 $0xffff, v3;
	_ =	sdelay $0x5  }
0x6b: {  	v3, _, _ =	vpop (xrf0)  }
0x6c: {  	(v2sf) =	vpush v3, $0xF;
	_ =	sdelay $0xe  }
0x6d: {  	s18 =	spop (v2sf)  }
0x6e: {  	s0 =	sxor.u32 $0x80000000, s18  }
0x6f: {  	s19 =	sshrl.u32 s0, $0x7  }
0x70: {  	s7 =	smin.u32 s19, $0x1E83  }
0x71: {  	s7 =	sshll.u32 s7, $0x7  }
0x72: {  	s7 =	sadd.s32 s11, s7  }
0x73: {  	[tilespmem:s12], [sflag:$0x7] =	stream.strided.gather [hbm4b:s7+s9], $0x1000, s2, s9, $0x38;
	[tilespmem:$0x19200] =	vst v63  }
0x74: {  	v3 =	vld [tilespmem:$0x0];
	_ =	sdelay $0x4  }
0x75: {  	v3 =	vsel vm7, $0x0, v3  }
0x76: {  	v3 =	vxor.u32 $0x80000000, v3  }
0x77: {  	(xrf0) =	vmax.scan.msk.u32 $0xffff, v3;
	_ =	sdelay $0x5  }
0x78: {  	v3, _, _ =	vpop (xrf0)  }
0x79: {  	(v2sf) =	vpush v3, $0xF;
	_ =	sdelay $0xe  }
0x7a: {  	s20 =	spop (v2sf)  }
0x7b: {  	s12 =	sxor.u32 $0x80000000, s20  }
0x7c: {  	s7 =	sshrl.u32 s12, $0x7  }
0x7d: {  	s7 =	smin.u32 s7, $0x1E83  }
0x7e: {  	s7 =	sshll.u32 s7, $0x7  }
0x7f: {  	s30 =	simm.s32 $0xF;
	s10 =	simm.s32 $0x9400;
	s7 =	sadd.s32 s11, s7  }
0x80: {  	[tilespmem:s13], [sflag:$0x8] =	stream.strided.gather [hbm4b:s7+s9], $0x1000, s2, s9, $0x38;
	[tilespmem:$0x19200] =	vst v63  }
0x81: {  	s7 =	simm.s32 $0x3C;
	s9 =	simm.s32 $0x7A1400;
	s2 =	simm.s32 $0x1  }
.LBB2_2:
0x82: {  	s1 =	sand.u32 $0x7F, s1  }
0x83: {  	v3 =	vor.u32 s1, v1  }
0x84: {  	v4 =	vor.u32 s1, v2  }
0x85: {  	_ =	swait.ge [sflag:s2], $0x1000  }
0x86: {  	[sflag:s2] =	ssyncset.done $0x0  }
0x87: {  	[sflag:s2] =	ssyncadd.s32 $0xFFFFF000  }
0x88: {  	v3 =	vld.idx.msk [tilespmem:v3+s21+$0x0], $0xffff  }
0x89: {  	v4 =	vld.idx.msk [tilespmem:v4+s21+$0x0], $0xffff;
	_ =	sdelay $0x2  }
0x8a: {  	s19 =	sadd.s32 $0xFFFFFFE4, s7  }
0x8b: {  	s1 =	sand.u32 $0xFC0, s19;
	[tilespmem:s10+$0xFFFFFE00] =	vst v3  }
0x8c: {  	s1 =	sshrl.u32 s1, $0x2;
	[tilespmem:s10+$0xFFFFFE10] =	vst v4  }
0x8d: {  	v3 =	vld [tilespmem:s1+$0x0];
	_ =	sdelay $0x1  }
0x8e: {  	s20 =	sadd.s32 $0xFFFFFFF9, s30  }
0x8f: {  	s1 =	sand.u32 $0x8, s20  }
0x90: {  	v49 =	vmov s1  }
0x91: {  	vm8 =	veq.s32 v49, v0;
	v3 =	vxor.u32 $0x80000000, v3  }
0x92: {  	v3 =	vnsel vm8, $0x80000000, v3  }
0x93: {  	(xrf0) =	vmax.scan.msk.u32 $0xffff, v3;
	_ =	sdelay $0x5  }
0x94: {  	v3, _, _ =	vpop (xrf0)  }
0x95: {  	(v2sf) =	vpush v3, $0xF;
	_ =	sdelay $0xe  }
0x96: {  	s13 =	spop (v2sf)  }
0x97: {  	s1 =	sxor.u32 $0x80000000, s13  }
0x98: {  	s14 =	sshrl.u32 s1, $0x7  }
0x99: {  	s14 =	smin.u32 s14, $0x1E83  }
0x9a: {  	s8 =	sand.u32 $0x7F, s8;
	s14 =	sshll.u32 s14, $0x7  }
0x9b: {  	v3 =	vor.u32 s8, v1;
	s14 =	sadd.s32 s11, s14  }
0x9c: {  	v50 =	vor.u32 s8, v2;
	[tilespmem:s21], [sflag:$0x1] =	stream.strided.gather [hbm4b:s14+s22], $0x1000, s9, s22, $0x38;
	[tilespmem:$0x19200] =	vst v63  }
0x9d: {  	_ =	swait.ge [sflag:s28], $0x1000  }
0x9e: {  	[sflag:s28] =	ssyncset.done $0x0  }
0x9f: {  	s16 =	simm.s32 $0x1200;
	[sflag:s28] =	ssyncadd.s32 $0xFFFFF000  }
0xa0: {  	v3 =	vld.idx.msk [tilespmem:v3+s16+$0x0], $0xffff  }
0xa1: {  	v4 =	vld.idx.msk [tilespmem:v50+s16+$0x0], $0xffff;
	_ =	sdelay $0x2  }
0xa2: {  	s21 =	sadd.s32 $0xFFFFFFE8, s7  }
0xa3: {  	s8 =	sand.u32 $0xFC0, s21;
	[tilespmem:s10+$0xFFFFFE80] =	vst v3  }
0xa4: {  	s8 =	sshrl.u32 s8, $0x2;
	[tilespmem:s10+$0xFFFFFE90] =	vst v4  }
0xa5: {  	v3 =	vld [tilespmem:s8+$0x0];
	_ =	sdelay $0x1  }
0xa6: {  	s14 =	sadd.s32 $0xFFFFFFFA, s30  }
0xa7: {  	s8 =	sand.u32 $0x9, s14  }
0xa8: {  	v51 =	vmov s8  }
0xa9: {  	vm8 =	veq.s32 v51, v0;
	v3 =	vxor.u32 $0x80000000, v3  }
0xaa: {  	v3 =	vnsel vm8, $0x80000000, v3  }
0xab: {  	(xrf0) =	vmax.scan.msk.u32 $0xffff, v3;
	_ =	sdelay $0x5  }
0xac: {  	v3, _, _ =	vpop (xrf0)  }
0xad: {  	(v2sf) =	vpush v3, $0xF;
	_ =	sdelay $0xe  }
0xae: {  	s14 =	spop (v2sf)  }
0xaf: {  	s8 =	sxor.u32 $0x80000000, s14  }
0xb0: {  	s15 =	sshrl.u32 s8, $0x7  }
0xb1: {  	s15 =	smin.u32 s15, $0x1E83  }
0xb2: {  	s3 =	sand.u32 $0x7F, s3;
	s15 =	sshll.u32 s15, $0x7  }
0xb3: {  	v3 =	vor.u32 s3, v1;
	s15 =	sadd.s32 s11, s15  }
0xb4: {  	v52 =	vor.u32 s3, v2;
	[tilespmem:s16], [sflag:$0x2] =	stream.strided.gather [hbm4b:s15+s22], $0x1000, s9, s22, $0x38;
	[tilespmem:$0x19200] =	vst v63  }
0xb5: {  	_ =	swait.ge [sflag:s23], $0x1000  }
0xb6: {  	[sflag:s23] =	ssyncset.done $0x0  }
0xb7: {  	s17 =	simm.s32 $0x2200;
	[sflag:s23] =	ssyncadd.s32 $0xFFFFF000  }
0xb8: {  	v3 =	vld.idx.msk [tilespmem:v3+s17+$0x0], $0xffff  }
0xb9: {  	v4 =	vld.idx.msk [tilespmem:v52+s17+$0x0], $0xffff;
	_ =	sdelay $0x2  }
0xba: {  	s15 =	sadd.s32 $0xFFFFFFEC, s7  }
0xbb: {  	s3 =	sand.u32 $0xFC0, s15;
	[tilespmem:s10+$0xFFFFFF00] =	vst v3  }
0xbc: {  	s3 =	sshrl.u32 s3, $0x2;
	[tilespmem:s10+$0xFFFFFF10] =	vst v4  }
0xbd: {  	v3 =	vld [tilespmem:s3+$0x0];
	_ =	sdelay $0x1  }
0xbe: {  	s16 =	sadd.s32 $0xFFFFFFFB, s30  }
0xbf: {  	s3 =	sand.u32 $0xA, s16  }
0xc0: {  	v53 =	vmov s3  }
0xc1: {  	vm8 =	veq.s32 v53, v0;
	v3 =	vxor.u32 $0x80000000, v3  }
0xc2: {  	v3 =	vnsel vm8, $0x80000000, v3  }
0xc3: {  	(xrf0) =	vmax.scan.msk.u32 $0xffff, v3;
	_ =	sdelay $0x5  }
0xc4: {  	v3, _, _ =	vpop (xrf0)  }
0xc5: {  	(v2sf) =	vpush v3, $0xF;
	_ =	sdelay $0xe  }
0xc6: {  	s15 =	spop (v2sf)  }
0xc7: {  	s3 =	sxor.u32 $0x80000000, s15  }
0xc8: {  	s18 =	sshrl.u32 s3, $0x7  }
0xc9: {  	s16 =	smin.u32 s18, $0x1E83  }
0xca: {  	s4 =	sand.u32 $0x7F, s4;
	s16 =	sshll.u32 s16, $0x7  }
0xcb: {  	v3 =	vor.u32 s4, v1;
	s16 =	sadd.s32 s11, s16  }
0xcc: {  	v54 =	vor.u32 s4, v2;
	[tilespmem:s17], [sflag:$0x3] =	stream.strided.gather [hbm4b:s16+s22], $0x1000, s9, s22, $0x38;
	[tilespmem:$0x19200] =	vst v63  }
0xcd: {  	_ =	swait.ge [sflag:s24], $0x1000  }
0xce: {  	[sflag:s24] =	ssyncset.done $0x0  }
0xcf: {  	s18 =	simm.s32 $0x3200;
	[sflag:s24] =	ssyncadd.s32 $0xFFFFF000  }
0xd0: {  	v3 =	vld.idx.msk [tilespmem:v3+s18+$0x0], $0xffff  }
0xd1: {  	v4 =	vld.idx.msk [tilespmem:v54+s18+$0x0], $0xffff;
	_ =	sdelay $0x2  }
0xd2: {  	s19 =	sadd.s32 $0xFFFFFFF0, s7  }
0xd3: {  	s4 =	sand.u32 $0xFC0, s19;
	[tilespmem:s10+$0xFFFFFF80] =	vst v3  }
0xd4: {  	s4 =	sshrl.u32 s4, $0x2;
	[tilespmem:s10+$0xFFFFFF90] =	vst v4  }
0xd5: {  	v3 =	vld [tilespmem:s4+$0x0];
	_ =	sdelay $0x1  }
0xd6: {  	s20 =	sadd.s32 $0xFFFFFFFC, s30  }
0xd7: {  	s4 =	sand.u32 $0xB, s20  }
0xd8: {  	v55 =	vmov s4  }
0xd9: {  	vm8 =	veq.s32 v55, v0;
	v3 =	vxor.u32 $0x80000000, v3  }
0xda: {  	v3 =	vnsel vm8, $0x80000000, v3  }
0xdb: {  	(xrf0) =	vmax.scan.msk.u32 $0xffff, v3;
	_ =	sdelay $0x5  }
0xdc: {  	v3, _, _ =	vpop (xrf0)  }
0xdd: {  	(v2sf) =	vpush v3, $0xF;
	_ =	sdelay $0xe  }
0xde: {  	s16 =	spop (v2sf)  }
0xdf: {  	s4 =	sxor.u32 $0x80000000, s16  }
0xe0: {  	s21 =	sshrl.u32 s4, $0x7  }
0xe1: {  	s17 =	smin.u32 s21, $0x1E83  }
0xe2: {  	s5 =	sand.u32 $0x7F, s5;
	s17 =	sshll.u32 s17, $0x7  }
0xe3: {  	v3 =	vor.u32 s5, v1;
	s17 =	sadd.s32 s11, s17  }
0xe4: {  	v56 =	vor.u32 s5, v2;
	[tilespmem:s18], [sflag:$0x4] =	stream.strided.gather [hbm4b:s17+s22], $0x1000, s9, s22, $0x38;
	[tilespmem:$0x19200] =	vst v63  }
0xe5: {  	_ =	swait.ge [sflag:s25], $0x1000  }
0xe6: {  	[sflag:s25] =	ssyncset.done $0x0  }
0xe7: {  	s19 =	simm.s32 $0x4200;
	[sflag:s25] =	ssyncadd.s32 $0xFFFFF000  }
0xe8: {  	v3 =	vld.idx.msk [tilespmem:v3+s19+$0x0], $0xffff  }
0xe9: {  	v4 =	vld.idx.msk [tilespmem:v56+s19+$0x0], $0xffff;
	_ =	sdelay $0x2  }
0xea: {  	s17 =	sadd.s32 $0xFFFFFFF4, s7  }
0xeb: {  	s5 =	sand.u32 $0xFC0, s17;
	[tilespmem:s10+$0x0] =	vst v3  }
0xec: {  	s5 =	sshrl.u32 s5, $0x2;
	[tilespmem:s10+$0x10] =	vst v4  }
0xed: {  	v3 =	vld [tilespmem:s5+$0x0];
	_ =	sdelay $0x1  }
0xee: {  	s18 =	sadd.s32 $0xFFFFFFFD, s30  }
0xef: {  	s5 =	sand.u32 $0xC, s18  }
0xf0: {  	v57 =	vmov s5  }
0xf1: {  	vm8 =	veq.s32 v57, v0;
	v3 =	vxor.u32 $0x80000000, v3  }
0xf2: {  	v3 =	vnsel vm8, $0x80000000, v3  }
0xf3: {  	(xrf0) =	vmax.scan.msk.u32 $0xffff, v3;
	_ =	sdelay $0x5  }
0xf4: {  	v3, _, _ =	vpop (xrf0)  }
0xf5: {  	(v2sf) =	vpush v3, $0xF;
	_ =	sdelay $0xe  }
0xf6: {  	s17 =	spop (v2sf)  }
0xf7: {  	s5 =	sxor.u32 $0x80000000, s17  }
0xf8: {  	s20 =	sshrl.u32 s5, $0x7  }
0xf9: {  	s18 =	smin.u32 s20, $0x1E83  }
0xfa: {  	s6 =	sand.u32 $0x7F, s6;
	s18 =	sshll.u32 s18, $0x7  }
0xfb: {  	s21 =	simm.s32 $0x6;
	v3 =	vor.u32 s6, v1;
	s18 =	sadd.s32 s11, s18  }
0xfc: {  	v58 =	vor.u32 s6, v2;
	[tilespmem:s19], [sflag:$0x5] =	stream.strided.gather [hbm4b:s18+s22], $0x1000, s9, s22, $0x38;
	[tilespmem:$0x19200] =	vst v63  }
0xfd: {  	_ =	swait.ge [sflag:s21], $0x1000  }
0xfe: {  	[sflag:s21] =	ssyncset.done $0x0  }
0xff: {  	s20 =	simm.s32 $0x5200;
	[sflag:s21] =	ssyncadd.s32 $0xFFFFF000  }
0x100: {  	v3 =	vld.idx.msk [tilespmem:v3+s20+$0x0], $0xffff  }
0x101: {  	v4 =	vld.idx.msk [tilespmem:v58+s20+$0x0], $0xffff;
	_ =	sdelay $0x2  }
0x102: {  	s18 =	sadd.s32 $0xFFFFFFF8, s7  }
0x103: {  	s6 =	sand.u32 $0xFC0, s18;
	[tilespmem:s10+$0x80] =	vst v3  }
0x104: {  	s6 =	sshrl.u32 s6, $0x2;
	[tilespmem:s10+$0x90] =	vst v4  }
0x105: {  	v3 =	vld [tilespmem:s6+$0x0];
	_ =	sdelay $0x1  }
0x106: {  	s19 =	sadd.s32 $0xFFFFFFFE, s30  }
0x107: {  	s6 =	sand.u32 $0xD, s19  }
0x108: {  	v59 =	vmov s6  }
0x109: {  	vm8 =	veq.s32 v59, v0;
	v3 =	vxor.u32 $0x80000000, v3  }
0x10a: {  	v3 =	vnsel vm8, $0x80000000, v3  }
0x10b: {  	(xrf0) =	vmax.scan.msk.u32 $0xffff, v3;
	_ =	sdelay $0x5  }
0x10c: {  	v3, _, _ =	vpop (xrf0)  }
0x10d: {  	(v2sf) =	vpush v3, $0xF;
	_ =	sdelay $0xe  }
0x10e: {  	s18 =	spop (v2sf)  }
0x10f: {  	s6 =	sxor.u32 $0x80000000, s18  }
0x110: {  	s21 =	sshrl.u32 s6, $0x7  }
0x111: {  	s19 =	smin.u32 s21, $0x1E83  }
0x112: {  	s0 =	sand.u32 $0x7F, s0;
	s19 =	sshll.u32 s19, $0x7  }
0x113: {  	v3 =	vor.u32 s0, v1;
	s21 =	simm.s32 $0x7;
	s19 =	sadd.s32 s11, s19  }
0x114: {  	v60 =	vor.u32 s0, v2;
	[tilespmem:s20], [sflag:$0x6] =	stream.strided.gather [hbm4b:s19+s22], $0x1000, s9, s22, $0x38;
	[tilespmem:$0x19200] =	vst v63  }
0x115: {  	_ =	swait.ge [sflag:s21], $0x1000  }
0x116: {  	[sflag:s21] =	ssyncset.done $0x0  }
0x117: {  	[sflag:s21] =	ssyncadd.s32 $0xFFFFF000;
	s21 =	simm.s32 $0x6200  }
0x118: {  	v3 =	vld.idx.msk [tilespmem:v3+s21+$0x0], $0xffff  }
0x119: {  	v4 =	vld.idx.msk [tilespmem:v60+s21+$0x0], $0xffff;
	_ =	sdelay $0x2  }
0x11a: {  	s19 =	sadd.s32 $0xFFFFFFFC, s7  }
0x11b: {  	s0 =	sand.u32 $0xFC0, s19;
	[tilespmem:s10+$0x100] =	vst v3  }
0x11c: {  	s0 =	sshrl.u32 s0, $0x2;
	[tilespmem:s10+$0x110] =	vst v4  }
0x11d: {  	v3 =	vld [tilespmem:s0+$0x0];
	_ =	sdelay $0x1  }
0x11e: {  	s20 =	sadd.s32 $0xFFFFFFFF, s30  }
0x11f: {  	s0 =	sand.u32 $0xE, s20  }
0x120: {  	v61 =	vmov s0  }
0x121: {  	vm8 =	veq.s32 v61, v0;
	v3 =	vxor.u32 $0x80000000, v3  }
0x122: {  	v3 =	vnsel vm8, $0x80000000, v3  }
0x123: {  	(xrf0) =	vmax.scan.msk.u32 $0xffff, v3;
	_ =	sdelay $0x5  }
0x124: {  	v3, _, _ =	vpop (xrf0)  }
0x125: {  	(v2sf) =	vpush v3, $0xF;
	_ =	sdelay $0xe  }
0x126: {  	s19 =	spop (v2sf)  }
0x127: {  	s0 =	sxor.u32 $0x80000000, s19  }
0x128: {  	s20 =	sshrl.u32 s0, $0x7  }
0x129: {  	s20 =	smin.u32 s20, $0x1E83  }
0x12a: {  	s20 =	sshll.u32 s20, $0x7  }
0x12b: {  	s12 =	sand.u32 $0x7F, s12;
	s20 =	sadd.s32 s11, s20  }
0x12c: {  	v3 =	vor.u32 s12, v1;
	[tilespmem:s21], [sflag:$0x7] =	stream.strided.gather [hbm4b:s20+s22], $0x1000, s9, s22, $0x38;
	[tilespmem:$0x19200] =	vst v63  }
0x12d: {  	v62 =	vor.u32 s12, v2;
	s21 =	simm.s32 $0x8  }
0x12e: {  	_ =	swait.ge [sflag:s21], $0x1000  }
0x12f: {  	[sflag:s21] =	ssyncset.done $0x0  }
0x130: {  	[sflag:s21] =	ssyncadd.s32 $0xFFFFF000  }
0x131: {  	v3 =	vld.idx.msk [tilespmem:v3+s26+$0x0], $0xffff  }
0x132: {  	v4 =	vld.idx.msk [tilespmem:v62+s26+$0x0], $0xffff;
	_ =	sdelay $0x3  }
0x133: {  	s20 =	sand.u32 $0xFC0, s7;
	[tilespmem:s10+$0x180] =	vst v3  }
0x134: {  	s12 =	sshrl.u32 s20, $0x2;
	[tilespmem:s10+$0x190] =	vst v4  }
0x135: {  	v3 =	vld [tilespmem:s12+$0x0];
	_ =	sdelay $0x2  }
0x136: {  	s21 =	sand.u32 $0xF, s30  }
0x137: {  	v63 =	vmov s21  }
0x138: {  	vm8 =	veq.s32 v63, v0;
	v3 =	vxor.u32 $0x80000000, v3  }
0x139: {  	v3 =	vnsel vm8, $0x80000000, v3  }
0x13a: {  	(xrf0) =	vmax.scan.msk.u32 $0xffff, v3;
	_ =	sdelay $0x5  }
0x13b: {  	v3, _, _ =	vpop (xrf0)  }
0x13c: {  	(v2sf) =	vpush v3, $0xF;
	_ =	sdelay $0xe  }
0x13d: {  	s20 =	spop (v2sf)  }
0x13e: {  	s12 =	sxor.u32 $0x80000000, s20  }
0x13f: {  	p0 =	sne.s32 s7, $0x7FC;
	s21 =	sshrl.u32 s12, $0x7  }
.Ltmp0:
0x140: {  	s21 =	smin.u32 s21, $0x1E83;
	(pc) =	sbr.rel @p0 .LBB2_2-.Ltmp0, $4  }
0x141: {  	s21 =	sshll.u32 s21, $0x7  }
0x142: {  	s7 =	sadd.s32 $0x20, s7;
	s21 =	sadd.s32 s11, s21  }
0x143: {  	[tilespmem:s26], [sflag:$0x8] =	stream.strided.gather [hbm4b:s21+s22], $0x1000, s9, s22, $0x38;
	[tilespmem:$0x19200] =	vst v63  }
0x144: {  	s30 =	sadd.s32 $0x8, s30;
	s10 =	sadd.s32 $0x400, s10;
	s21 =	simm.s32 $0x200  }
0x145: {  	s0 =	sand.u32 $0x7F, s13  }
0x146: {  	v3 =	vor.u32 s0, v1  }
0x147: {  	v4 =	vor.u32 s0, v2  }
0x148: {  	_ =	swait.ge [sflag:s2], $0x1000  }
0x149: {  	[sflag:s2] =	ssyncset.done $0x0  }
0x14a: {  	[sflag:s2] =	ssyncadd.s32 $0xFFFFF000  }
0x14b: {  	v3 =	vld.idx.msk [tilespmem:v3+s21+$0x0], $0xffff  }
0x14c: {  	v4 =	vld.idx.msk [tilespmem:v4+s21+$0x0], $0xffff;
	_ =	sdelay $0x2  }
0x14d: {  	s1 =	sand.u32 $0x7F, s14  }
0x14e: {  	v5 =	vor.u32 s1, v2;
	[tilespmem:$0x18E00] =	vst v3  }
0x14f: {  	v3 =	vor.u32 s1, v1;
	[tilespmem:$0x18E10] =	vst v4  }
0x150: {  	_ =	swait.ge [sflag:s28], $0x1000  }
0x151: {  	[sflag:s28] =	ssyncset.done $0x0  }
0x152: {  	s2 =	simm.s32 $0x1200;
	[sflag:s28] =	ssyncadd.s32 $0xFFFFF000  }
0x153: {  	v4 =	vld.idx.msk [tilespmem:v5+s2+$0x0], $0xffff  }
0x154: {  	v3 =	vld.idx.msk [tilespmem:v3+s2+$0x0], $0xffff;
	_ =	sdelay $0x2  }
0x155: {  	s3 =	sand.u32 $0x7F, s15  }
0x156: {  	v5 =	vor.u32 s3, v2;
	[tilespmem:$0x18E90] =	vst v4  }
0x157: {  	[tilespmem:$0x18E80] =	vst v3;
	v3 =	vor.u32 s3, v1  }
0x158: {  	_ =	swait.ge [sflag:s23], $0x1000  }
0x159: {  	[sflag:s23] =	ssyncset.done $0x0  }
0x15a: {  	s4 =	simm.s32 $0x2200;
	[sflag:s23] =	ssyncadd.s32 $0xFFFFF000  }
0x15b: {  	v4 =	vld.idx.msk [tilespmem:v5+s4+$0x0], $0xffff  }
0x15c: {  	v3 =	vld.idx.msk [tilespmem:v3+s4+$0x0], $0xffff;
	_ =	sdelay $0x2  }
0x15d: {  	s5 =	sand.u32 $0x7F, s16  }
0x15e: {  	v5 =	vor.u32 s5, v2;
	[tilespmem:$0x18F10] =	vst v4  }
0x15f: {  	[tilespmem:$0x18F00] =	vst v3;
	v3 =	vor.u32 s5, v1  }
0x160: {  	_ =	swait.ge [sflag:s24], $0x1000  }
0x161: {  	[sflag:s24] =	ssyncset.done $0x0  }
0x162: {  	s6 =	simm.s32 $0x3200;
	[sflag:s24] =	ssyncadd.s32 $0xFFFFF000  }
0x163: {  	v4 =	vld.idx.msk [tilespmem:v5+s6+$0x0], $0xffff  }
0x164: {  	v3 =	vld.idx.msk [tilespmem:v3+s6+$0x0], $0xffff;
	_ =	sdelay $0x2  }
0x165: {  	s7 =	sand.u32 $0x7F, s17  }
0x166: {  	v5 =	vor.u32 s7, v2;
	[tilespmem:$0x18F90] =	vst v4  }
0x167: {  	[tilespmem:$0x18F80] =	vst v3;
	v3 =	vor.u32 s7, v1  }
0x168: {  	_ =	swait.ge [sflag:s25], $0x1000  }
0x169: {  	[sflag:s25] =	ssyncset.done $0x0  }
0x16a: {  	s8 =	simm.s32 $0x4200;
	[sflag:s25] =	ssyncadd.s32 $0xFFFFF000  }
0x16b: {  	v4 =	vld.idx.msk [tilespmem:v5+s8+$0x0], $0xffff  }
0x16c: {  	v3 =	vld.idx.msk [tilespmem:v3+s8+$0x0], $0xffff;
	_ =	sdelay $0x2  }
0x16d: {  	s10 =	sand.u32 $0x7F, s18  }
0x16e: {  	v5 =	vor.u32 s10, v2;
	[tilespmem:$0x19010] =	vst v4  }
0x16f: {  	s12 =	simm.s32 $0x6;
	[tilespmem:$0x19000] =	vst v3;
	v3 =	vor.u32 s10, v1  }
0x170: {  	_ =	swait.ge [sflag:s12], $0x1000  }
0x171: {  	[sflag:s12] =	ssyncset.done $0x0  }
0x172: {  	s13 =	simm.s32 $0x5200;
	[sflag:s12] =	ssyncadd.s32 $0xFFFFF000  }
0x173: {  	v4 =	vld.idx.msk [tilespmem:v5+s13+$0x0], $0xffff  }
0x174: {  	v3 =	vld.idx.msk [tilespmem:v3+s13+$0x0], $0xffff;
	_ =	sdelay $0x2  }
0x175: {  	s14 =	sand.u32 $0x7F, s19  }
0x176: {  	[tilespmem:$0x19090] =	vst v4;
	v4 =	vor.u32 s14, v2  }
0x177: {  	s15 =	simm.s32 $0x7;
	[tilespmem:$0x19080] =	vst v3;
	v3 =	vor.u32 s14, v1  }
0x178: {  	_ =	swait.ge [sflag:s15], $0x1000  }
0x179: {  	[sflag:s15] =	ssyncset.done $0x0  }
0x17a: {  	s16 =	simm.s32 $0x6200;
	[sflag:s15] =	ssyncadd.s32 $0xFFFFF000  }
0x17b: {  	v4 =	vld.idx.msk [tilespmem:v4+s16+$0x0], $0xffff  }
0x17c: {  	v3 =	vld.idx.msk [tilespmem:v3+s16+$0x0], $0xffff;
	_ =	sdelay $0x2  }
0x17d: {  	s17 =	sand.u32 $0x7F, s20  }
0x17e: {  	[tilespmem:$0x19110] =	vst v4;
	v4 =	vor.u32 s17, v2  }
0x17f: {  	s18 =	simm.s32 $0x8;
	[tilespmem:$0x19100] =	vst v3;
	v3 =	vor.u32 s17, v1  }
0x180: {  	_ =	swait.ge [sflag:s18], $0x1000  }
0x181: {  	[sflag:s18] =	ssyncset.done $0x0  }
0x182: {  	s19 =	simm.s32 $0x7200;
	[sflag:s18] =	ssyncadd.s32 $0xFFFFF000  }
0x183: {  	v4 =	vld.idx.msk [tilespmem:v4+s19+$0x0], $0xffff  }
0x184: {  	v3 =	vld.idx.msk [tilespmem:v3+s19+$0x0], $0xffff;
	_ =	sdelay $0x3  }
0x185: {  	[tilespmem:$0x19190] =	vst v4  }
0x186: {  	s30 =	simm.s32 $0x9;
	s20 =	rddreg [dreg:$0x5];
	[tilespmem:$0x19180] =	vst v3  }
0x187: {  	[tilespmem:s29], [sflag:$0x9] =	stream.strided.gather [hbm4b:s20+s22], $0x1000, s9, s22, $0x38;
	[tilespmem:$0x19200] =	vst v63  }
0x188: {  	_ =	swait.ge [sflag:s30], $0x1000  }
0x189: {  	[sflag:s30] =	ssyncset.done $0x0  }
0x18a: {  	s1 =	simm.s32 $0x0;
	[sflag:s30] =	ssyncadd.s32 $0xFFFFF000  }
0x18b: {  	v3 =	vld [tilespmem:s1+$0x0];
	_ =	sdelay $0x4  }
0x18c: {  	v4 =	vadd.s32 $0xFFF0BE00, v3  }
0x18d: {  	vm8 =	vgt.s32 v4, $0x0  }
0x18e: {  	v4 =	vnsel vm8, $0x0, v4;
	_ =	sdelay $0x2  }
0x18f: {  	v5 =	vmov s1  }
0x190: {  	v5 =	vshll.u32 v5, $0x7;
	vm8 =	vgt.s32 v3, $0xF41FF  }
0x191: {  	v5 =	vor.u32 v1, v5;
	v3 =	vld.idx.msk [tilespmem:v4+s29+$0x0], $0xffff  }
0x192: {  	v6 =	vadd.s32 $0x80, v4;
	_ =	sdelay $0x3  }
0x193: {  	[tilespmem:v5+s31+$0x0] =	vst.idx.msk vm8, v3  }
0x194: {  	v3 =	vld.idx.msk [tilespmem:v6+s29+$0x0], $0xffff;
	v6 =	vor.u32 $0x1, v5  }
0x195: {  	v7 =	vadd.s32 $0x100, v4;
	_ =	sdelay $0x3  }
0x196: {  	[tilespmem:v6+s31+$0x0] =	vst.idx.msk vm8, v3  }
0x197: {  	v6 =	vor.u32 $0x2, v5;
	v3 =	vld.idx.msk [tilespmem:v7+s29+$0x0], $0xffff  }
0x198: {  	v7 =	vadd.s32 $0x180, v4;
	_ =	sdelay $0x3  }
0x199: {  	[tilespmem:v6+s31+$0x0] =	vst.idx.msk vm8, v3  }
0x19a: {  	v6 =	vor.u32 $0x3, v5;
	v3 =	vld.idx.msk [tilespmem:v7+s29+$0x0], $0xffff  }
0x19b: {  	v7 =	vadd.s32 $0x200, v4;
	_ =	sdelay $0x3  }
0x19c: {  	[tilespmem:v6+s31+$0x0] =	vst.idx.msk vm8, v3  }
0x19d: {  	v6 =	vor.u32 $0x4, v5;
	v3 =	vld.idx.msk [tilespmem:v7+s29+$0x0], $0xffff  }
0x19e: {  	v7 =	vadd.s32 $0x280, v4;
	_ =	sdelay $0x3  }
0x19f: {  	[tilespmem:v6+s31+$0x0] =	vst.idx.msk vm8, v3  }
0x1a0: {  	v6 =	vor.u32 $0x5, v5;
	v3 =	vld.idx.msk [tilespmem:v7+s29+$0x0], $0xffff  }
0x1a1: {  	v7 =	vadd.s32 $0x300, v4;
	_ =	sdelay $0x3  }
0x1a2: {  	[tilespmem:v6+s31+$0x0] =	vst.idx.msk vm8, v3  }
0x1a3: {  	v6 =	vor.u32 $0x6, v5;
	v3 =	vld.idx.msk [tilespmem:v7+s29+$0x0], $0xffff  }
0x1a4: {  	v7 =	vadd.s32 $0x380, v4;
	_ =	sdelay $0x3  }
0x1a5: {  	[tilespmem:v6+s31+$0x0] =	vst.idx.msk vm8, v3  }
0x1a6: {  	v6 =	vor.u32 $0x7, v5;
	v3 =	vld.idx.msk [tilespmem:v7+s29+$0x0], $0xffff  }
0x1a7: {  	v7 =	vadd.s32 $0x400, v4;
	_ =	sdelay $0x3  }
0x1a8: {  	[tilespmem:v6+s31+$0x0] =	vst.idx.msk vm8, v3  }
0x1a9: {  	v6 =	vor.u32 $0x8, v5;
	v3 =	vld.idx.msk [tilespmem:v7+s29+$0x0], $0xffff  }
0x1aa: {  	v7 =	vadd.s32 $0x480, v4;
	_ =	sdelay $0x3  }
0x1ab: {  	[tilespmem:v6+s31+$0x0] =	vst.idx.msk vm8, v3  }
0x1ac: {  	v6 =	vor.u32 $0x9, v5;
	v3 =	vld.idx.msk [tilespmem:v7+s29+$0x0], $0xffff  }
0x1ad: {  	v7 =	vadd.s32 $0x500, v4;
	_ =	sdelay $0x3  }
0x1ae: {  	[tilespmem:v6+s31+$0x0] =	vst.idx.msk vm8, v3  }
0x1af: {  	v6 =	vor.u32 $0xA, v5;
	v3 =	vld.idx.msk [tilespmem:v7+s29+$0x0], $0xffff  }
0x1b0: {  	v7 =	vadd.s32 $0x580, v4;
	_ =	sdelay $0x3  }
0x1b1: {  	[tilespmem:v6+s31+$0x0] =	vst.idx.msk vm8, v3  }
0x1b2: {  	v6 =	vor.u32 $0xB, v5;
	v3 =	vld.idx.msk [tilespmem:v7+s29+$0x0], $0xffff  }
0x1b3: {  	v7 =	vadd.s32 $0x600, v4;
	_ =	sdelay $0x3  }
0x1b4: {  	[tilespmem:v6+s31+$0x0] =	vst.idx.msk vm8, v3  }
0x1b5: {  	v6 =	vor.u32 $0xC, v5;
	v3 =	vld.idx.msk [tilespmem:v7+s29+$0x0], $0xffff  }
0x1b6: {  	v7 =	vadd.s32 $0x680, v4;
	_ =	sdelay $0x3  }
0x1b7: {  	[tilespmem:v6+s31+$0x0] =	vst.idx.msk vm8, v3  }
0x1b8: {  	v6 =	vor.u32 $0xD, v5;
	v3 =	vld.idx.msk [tilespmem:v7+s29+$0x0], $0xffff  }
0x1b9: {  	v7 =	vadd.s32 $0x700, v4;
	_ =	sdelay $0x3  }
0x1ba: {  	[tilespmem:v6+s31+$0x0] =	vst.idx.msk vm8, v3  }
0x1bb: {  	v6 =	vor.u32 $0xE, v5;
	v3 =	vld.idx.msk [tilespmem:v7+s29+$0x0], $0xffff  }
0x1bc: {  	v7 =	vadd.s32 $0x780, v4;
	_ =	sdelay $0x3  }
0x1bd: {  	[tilespmem:v6+s31+$0x0] =	vst.idx.msk vm8, v3  }
0x1be: {  	v6 =	vor.u32 $0xF, v5;
	v3 =	vld.idx.msk [tilespmem:v7+s29+$0x0], $0xffff  }
0x1bf: {  	v7 =	vadd.s32 $0x800, v4;
	_ =	sdelay $0x3  }
0x1c0: {  	[tilespmem:v6+s31+$0x0] =	vst.idx.msk vm8, v3  }
0x1c1: {  	v6 =	vor.u32 $0x10, v5;
	v3 =	vld.idx.msk [tilespmem:v7+s29+$0x0], $0xffff  }
0x1c2: {  	v7 =	vadd.s32 $0x880, v4;
	_ =	sdelay $0x3  }
0x1c3: {  	[tilespmem:v6+s31+$0x0] =	vst.idx.msk vm8, v3  }
0x1c4: {  	v6 =	vor.u32 $0x11, v5;
	v3 =	vld.idx.msk [tilespmem:v7+s29+$0x0], $0xffff  }
0x1c5: {  	v7 =	vadd.s32 $0x900, v4;
	_ =	sdelay $0x3  }
0x1c6: {  	[tilespmem:v6+s31+$0x0] =	vst.idx.msk vm8, v3  }
0x1c7: {  	v6 =	vor.u32 $0x12, v5;
	v3 =	vld.idx.msk [tilespmem:v7+s29+$0x0], $0xffff  }
0x1c8: {  	v7 =	vadd.s32 $0x980, v4;
	_ =	sdelay $0x3  }
0x1c9: {  	[tilespmem:v6+s31+$0x0] =	vst.idx.msk vm8, v3  }
0x1ca: {  	v6 =	vor.u32 $0x13, v5;
	v3 =	vld.idx.msk [tilespmem:v7+s29+$0x0], $0xffff  }
0x1cb: {  	v7 =	vadd.s32 $0xA00, v4;
	_ =	sdelay $0x3  }
0x1cc: {  	[tilespmem:v6+s31+$0x0] =	vst.idx.msk vm8, v3  }
0x1cd: {  	v6 =	vor.u32 $0x14, v5;
	v3 =	vld.idx.msk [tilespmem:v7+s29+$0x0], $0xffff  }
0x1ce: {  	v7 =	vadd.s32 $0xA80, v4;
	_ =	sdelay $0x3  }
0x1cf: {  	[tilespmem:v6+s31+$0x0] =	vst.idx.msk vm8, v3  }
0x1d0: {  	v6 =	vor.u32 $0x15, v5;
	v3 =	vld.idx.msk [tilespmem:v7+s29+$0x0], $0xffff  }
0x1d1: {  	v7 =	vadd.s32 $0xB00, v4;
	_ =	sdelay $0x3  }
0x1d2: {  	[tilespmem:v6+s31+$0x0] =	vst.idx.msk vm8, v3  }
0x1d3: {  	v6 =	vor.u32 $0x16, v5;
	v3 =	vld.idx.msk [tilespmem:v7+s29+$0x0], $0xffff  }
0x1d4: {  	v7 =	vadd.s32 $0xB80, v4;
	_ =	sdelay $0x3  }
0x1d5: {  	[tilespmem:v6+s31+$0x0] =	vst.idx.msk vm8, v3  }
0x1d6: {  	v6 =	vor.u32 $0x17, v5;
	v3 =	vld.idx.msk [tilespmem:v7+s29+$0x0], $0xffff  }
0x1d7: {  	v7 =	vadd.s32 $0xC00, v4;
	_ =	sdelay $0x3  }
0x1d8: {  	[tilespmem:v6+s31+$0x0] =	vst.idx.msk vm8, v3  }
0x1d9: {  	v6 =	vor.u32 $0x18, v5;
	v3 =	vld.idx.msk [tilespmem:v7+s29+$0x0], $0xffff  }
0x1da: {  	v7 =	vadd.s32 $0xC80, v4;
	_ =	sdelay $0x3  }
0x1db: {  	[tilespmem:v6+s31+$0x0] =	vst.idx.msk vm8, v3  }
0x1dc: {  	v6 =	vor.u32 $0x19, v5;
	v3 =	vld.idx.msk [tilespmem:v7+s29+$0x0], $0xffff  }
0x1dd: {  	v7 =	vadd.s32 $0xD00, v4;
	_ =	sdelay $0x3  }
0x1de: {  	[tilespmem:v6+s31+$0x0] =	vst.idx.msk vm8, v3  }
0x1df: {  	v6 =	vor.u32 $0x1A, v5;
	v3 =	vld.idx.msk [tilespmem:v7+s29+$0x0], $0xffff  }
0x1e0: {  	v7 =	vadd.s32 $0xD80, v4;
	_ =	sdelay $0x3  }
0x1e1: {  	[tilespmem:v6+s31+$0x0] =	vst.idx.msk vm8, v3  }
0x1e2: {  	v6 =	vor.u32 $0x1B, v5;
	v3 =	vld.idx.msk [tilespmem:v7+s29+$0x0], $0xffff  }
0x1e3: {  	v7 =	vadd.s32 $0xE00, v4;
	_ =	sdelay $0x3  }
0x1e4: {  	[tilespmem:v6+s31+$0x0] =	vst.idx.msk vm8, v3  }
0x1e5: {  	v6 =	vor.u32 $0x1C, v5;
	v3 =	vld.idx.msk [tilespmem:v7+s29+$0x0], $0xffff  }
0x1e6: {  	v7 =	vadd.s32 $0xE80, v4;
	_ =	sdelay $0x3  }
0x1e7: {  	[tilespmem:v6+s31+$0x0] =	vst.idx.msk vm8, v3  }
0x1e8: {  	v6 =	vor.u32 $0x1D, v5;
	v3 =	vld.idx.msk [tilespmem:v7+s29+$0x0], $0xffff  }
0x1e9: {  	v7 =	vadd.s32 $0xF00, v4;
	_ =	sdelay $0x3  }
0x1ea: {  	[tilespmem:v6+s31+$0x0] =	vst.idx.msk vm8, v3  }
0x1eb: {  	v6 =	vor.u32 $0x1E, v5;
	v3 =	vld.idx.msk [tilespmem:v7+s29+$0x0], $0xffff  }
0x1ec: {  	v4 =	vadd.s32 $0xF80, v4;
	_ =	sdelay $0x1  }
0x1ed: {  	s2 =	simm.s32 $0x7A1400  }
0x1ee: {  	s4 =	simm.s32 $0x1200;
	s5 =	simm.s32 $0x2200;
	s6 =	simm.s32 $0x3200  }
0x1ef: {  	s7 =	simm.s32 $0x4200;
	s8 =	simm.s32 $0x10;
	s10 =	simm.s32 $0x5200;
	[tilespmem:v6+s31+$0x0] =	vst.idx.msk vm8, v3  }
0x1f0: {  	s12 =	simm.s32 $0x6200;
	s13 =	simm.s32 $0x7200;
	s9 =	simm.s32 $0x400;
	v3 =	vld.idx.msk [tilespmem:v4+s29+$0x0], $0xffff;
	v4 =	vor.u32 $0x1F, v5  }
.LBB2_4:
0x1f1: {  	_ =	sdelay $0x2  }
0x1f2: {  	p0 =	sne.s32 s8, $0x1F0  }
0x1f3: {  	s1 =	sadd.s32 $0x10, s1;
	s0 =	smov.u32 s8;
	s8 =	sadd.s32 $0x10, s8;
	[tilespmem:v4+s31+$0x0] =	vst.idx.msk vm8, v3  }
0x1f4: {  	v4 =	vld [tilespmem:s1+$0x0];
	_ =	sdelay $0x4  }
0x1f5: {  	v3 =	vadd.s32 $0xFFF0BE00, v4  }
0x1f6: {  	vm8 =	vgt.s32 v3, $0x0  }
0x1f7: {  	v3 =	vnsel vm8, $0x0, v3;
	_ =	sdelay $0x3  }
0x1f8: {  	v5 =	vmov s0  }
0x1f9: {  	v5 =	vshll.u32 v5, $0x7;
	vm8 =	vgt.s32 v4, $0xF41FF;
	v6 =	vld.idx.msk [tilespmem:v3+s29+$0x0], $0xffff  }
0x1fa: {  	v4 =	vor.u32 v1, v5  }
0x1fb: {  	v5 =	vadd.s32 $0x80, v3;
	_ =	sdelay $0x3  }
0x1fc: {  	[tilespmem:v4+s31+$0x0] =	vst.idx.msk vm8, v6  }
0x1fd: {  	v5 =	vld.idx.msk [tilespmem:v5+s29+$0x0], $0xffff  }
0x1fe: {  	v6 =	vor.u32 $0x1, v4  }
0x1ff: {  	v7 =	vadd.s32 $0x100, v3;
	_ =	sdelay $0x3  }
0x200: {  	[tilespmem:v6+s31+$0x0] =	vst.idx.msk vm8, v5  }
0x201: {  	v5 =	vld.idx.msk [tilespmem:v7+s29+$0x0], $0xffff  }
0x202: {  	v6 =	vor.u32 $0x2, v4  }
0x203: {  	v7 =	vadd.s32 $0x180, v3;
	_ =	sdelay $0x3  }
0x204: {  	[tilespmem:v6+s31+$0x0] =	vst.idx.msk vm8, v5  }
0x205: {  	v5 =	vld.idx.msk [tilespmem:v7+s29+$0x0], $0xffff  }
0x206: {  	v6 =	vor.u32 $0x3, v4  }
0x207: {  	v7 =	vadd.s32 $0x200, v3;
	_ =	sdelay $0x3  }
0x208: {  	[tilespmem:v6+s31+$0x0] =	vst.idx.msk vm8, v5  }
0x209: {  	v5 =	vld.idx.msk [tilespmem:v7+s29+$0x0], $0xffff  }
0x20a: {  	v6 =	vor.u32 $0x4, v4  }
0x20b: {  	v7 =	vadd.s32 $0x280, v3;
	_ =	sdelay $0x3  }
0x20c: {  	[tilespmem:v6+s31+$0x0] =	vst.idx.msk vm8, v5  }
0x20d: {  	v5 =	vld.idx.msk [tilespmem:v7+s29+$0x0], $0xffff  }
0x20e: {  	v6 =	vor.u32 $0x5, v4  }
0x20f: {  	v7 =	vadd.s32 $0x300, v3;
	_ =	sdelay $0x3  }
0x210: {  	[tilespmem:v6+s31+$0x0] =	vst.idx.msk vm8, v5  }
0x211: {  	v5 =	vld.idx.msk [tilespmem:v7+s29+$0x0], $0xffff  }
0x212: {  	v6 =	vor.u32 $0x6, v4  }
0x213: {  	v7 =	vadd.s32 $0x380, v3;
	_ =	sdelay $0x3  }
0x214: {  	[tilespmem:v6+s31+$0x0] =	vst.idx.msk vm8, v5  }
0x215: {  	v5 =	vld.idx.msk [tilespmem:v7+s29+$0x0], $0xffff  }
0x216: {  	v6 =	vor.u32 $0x7, v4  }
0x217: {  	v7 =	vadd.s32 $0x400, v3;
	_ =	sdelay $0x3  }
0x218: {  	[tilespmem:v6+s31+$0x0] =	vst.idx.msk vm8, v5  }
0x219: {  	v5 =	vld.idx.msk [tilespmem:v7+s29+$0x0], $0xffff  }
0x21a: {  	v6 =	vor.u32 $0x8, v4  }
0x21b: {  	v7 =	vadd.s32 $0x480, v3;
	_ =	sdelay $0x3  }
0x21c: {  	[tilespmem:v6+s31+$0x0] =	vst.idx.msk vm8, v5  }
0x21d: {  	v5 =	vld.idx.msk [tilespmem:v7+s29+$0x0], $0xffff  }
0x21e: {  	v6 =	vor.u32 $0x9, v4  }
0x21f: {  	v7 =	vadd.s32 $0x500, v3;
	_ =	sdelay $0x3  }
0x220: {  	[tilespmem:v6+s31+$0x0] =	vst.idx.msk vm8, v5  }
0x221: {  	v5 =	vld.idx.msk [tilespmem:v7+s29+$0x0], $0xffff  }
0x222: {  	v6 =	vor.u32 $0xA, v4  }
0x223: {  	v7 =	vadd.s32 $0x580, v3;
	_ =	sdelay $0x3  }
0x224: {  	[tilespmem:v6+s31+$0x0] =	vst.idx.msk vm8, v5  }
0x225: {  	v5 =	vld.idx.msk [tilespmem:v7+s29+$0x0], $0xffff  }
0x226: {  	v6 =	vor.u32 $0xB, v4  }
0x227: {  	v7 =	vadd.s32 $0x600, v3;
	_ =	sdelay $0x3  }
0x228: {  	[tilespmem:v6+s31+$0x0] =	vst.idx.msk vm8, v5  }
0x229: {  	v5 =	vld.idx.msk [tilespmem:v7+s29+$0x0], $0xffff  }
0x22a: {  	v6 =	vor.u32 $0xC, v4  }
0x22b: {  	v7 =	vadd.s32 $0x680, v3;
	_ =	sdelay $0x3  }
0x22c: {  	[tilespmem:v6+s31+$0x0] =	vst.idx.msk vm8, v5  }
0x22d: {  	v5 =	vld.idx.msk [tilespmem:v7+s29+$0x0], $0xffff  }
0x22e: {  	v6 =	vor.u32 $0xD, v4  }
0x22f: {  	v7 =	vadd.s32 $0x700, v3;
	_ =	sdelay $0x3  }
0x230: {  	[tilespmem:v6+s31+$0x0] =	vst.idx.msk vm8, v5  }
0x231: {  	v5 =	vld.idx.msk [tilespmem:v7+s29+$0x0], $0xffff  }
0x232: {  	v6 =	vor.u32 $0xE, v4  }
0x233: {  	v7 =	vadd.s32 $0x780, v3;
	_ =	sdelay $0x3  }
0x234: {  	[tilespmem:v6+s31+$0x0] =	vst.idx.msk vm8, v5  }
0x235: {  	v5 =	vld.idx.msk [tilespmem:v7+s29+$0x0], $0xffff  }
0x236: {  	v6 =	vor.u32 $0xF, v4  }
0x237: {  	v7 =	vadd.s32 $0x800, v3;
	_ =	sdelay $0x3  }
0x238: {  	[tilespmem:v6+s31+$0x0] =	vst.idx.msk vm8, v5  }
0x239: {  	v5 =	vld.idx.msk [tilespmem:v7+s29+$0x0], $0xffff  }
0x23a: {  	v6 =	vor.u32 $0x10, v4  }
0x23b: {  	v7 =	vadd.s32 $0x880, v3;
	_ =	sdelay $0x3  }
0x23c: {  	[tilespmem:v6+s31+$0x0] =	vst.idx.msk vm8, v5  }
0x23d: {  	v5 =	vld.idx.msk [tilespmem:v7+s29+$0x0], $0xffff  }
0x23e: {  	v6 =	vor.u32 $0x11, v4  }
0x23f: {  	v7 =	vadd.s32 $0x900, v3;
	_ =	sdelay $0x3  }
0x240: {  	[tilespmem:v6+s31+$0x0] =	vst.idx.msk vm8, v5  }
0x241: {  	v5 =	vld.idx.msk [tilespmem:v7+s29+$0x0], $0xffff  }
0x242: {  	v6 =	vor.u32 $0x12, v4  }
0x243: {  	v7 =	vadd.s32 $0x980, v3;
	_ =	sdelay $0x3  }
0x244: {  	[tilespmem:v6+s31+$0x0] =	vst.idx.msk vm8, v5  }
0x245: {  	v5 =	vld.idx.msk [tilespmem:v7+s29+$0x0], $0xffff  }
0x246: {  	v6 =	vor.u32 $0x13, v4  }
0x247: {  	v7 =	vadd.s32 $0xA00, v3;
	_ =	sdelay $0x3  }
0x248: {  	[tilespmem:v6+s31+$0x0] =	vst.idx.msk vm8, v5  }
0x249: {  	v5 =	vld.idx.msk [tilespmem:v7+s29+$0x0], $0xffff  }
0x24a: {  	v6 =	vor.u32 $0x14, v4  }
0x24b: {  	v7 =	vadd.s32 $0xA80, v3;
	_ =	sdelay $0x3  }
0x24c: {  	[tilespmem:v6+s31+$0x0] =	vst.idx.msk vm8, v5  }
0x24d: {  	v5 =	vld.idx.msk [tilespmem:v7+s29+$0x0], $0xffff  }
0x24e: {  	v6 =	vor.u32 $0x15, v4  }
0x24f: {  	v7 =	vadd.s32 $0xB00, v3;
	_ =	sdelay $0x3  }
0x250: {  	[tilespmem:v6+s31+$0x0] =	vst.idx.msk vm8, v5  }
0x251: {  	v5 =	vld.idx.msk [tilespmem:v7+s29+$0x0], $0xffff  }
0x252: {  	v6 =	vor.u32 $0x16, v4  }
0x253: {  	v7 =	vadd.s32 $0xB80, v3;
	_ =	sdelay $0x3  }
0x254: {  	[tilespmem:v6+s31+$0x0] =	vst.idx.msk vm8, v5  }
0x255: {  	v5 =	vld.idx.msk [tilespmem:v7+s29+$0x0], $0xffff  }
0x256: {  	v6 =	vor.u32 $0x17, v4  }
0x257: {  	v7 =	vadd.s32 $0xC00, v3;
	_ =	sdelay $0x3  }
0x258: {  	[tilespmem:v6+s31+$0x0] =	vst.idx.msk vm8, v5  }
0x259: {  	v5 =	vld.idx.msk [tilespmem:v7+s29+$0x0], $0xffff  }
0x25a: {  	v6 =	vor.u32 $0x18, v4  }
0x25b: {  	v7 =	vadd.s32 $0xC80, v3;
	_ =	sdelay $0x3  }
0x25c: {  	[tilespmem:v6+s31+$0x0] =	vst.idx.msk vm8, v5  }
0x25d: {  	v5 =	vld.idx.msk [tilespmem:v7+s29+$0x0], $0xffff  }
0x25e: {  	v6 =	vor.u32 $0x19, v4  }
0x25f: {  	v7 =	vadd.s32 $0xD00, v3;
	_ =	sdelay $0x3  }
0x260: {  	[tilespmem:v6+s31+$0x0] =	vst.idx.msk vm8, v5  }
0x261: {  	v5 =	vld.idx.msk [tilespmem:v7+s29+$0x0], $0xffff  }
0x262: {  	v6 =	vor.u32 $0x1A, v4  }
0x263: {  	v7 =	vadd.s32 $0xD80, v3;
	_ =	sdelay $0x3  }
0x264: {  	[tilespmem:v6+s31+$0x0] =	vst.idx.msk vm8, v5  }
0x265: {  	v5 =	vld.idx.msk [tilespmem:v7+s29+$0x0], $0xffff  }
0x266: {  	v6 =	vor.u32 $0x1B, v4  }
0x267: {  	v7 =	vadd.s32 $0xE00, v3;
	_ =	sdelay $0x3  }
0x268: {  	[tilespmem:v6+s31+$0x0] =	vst.idx.msk vm8, v5  }
0x269: {  	v5 =	vld.idx.msk [tilespmem:v7+s29+$0x0], $0xffff  }
0x26a: {  	v6 =	vor.u32 $0x1C, v4  }
0x26b: {  	v7 =	vadd.s32 $0xE80, v3;
	_ =	sdelay $0x3  }
0x26c: {  	[tilespmem:v6+s31+$0x0] =	vst.idx.msk vm8, v5  }
0x26d: {  	v5 =	vld.idx.msk [tilespmem:v7+s29+$0x0], $0xffff  }
0x26e: {  	v6 =	vor.u32 $0x1D, v4  }
0x26f: {  	v7 =	vadd.s32 $0xF00, v3;
	_ =	sdelay $0x3  }
0x270: {  	[tilespmem:v6+s31+$0x0] =	vst.idx.msk vm8, v5  }
0x271: {  	v5 =	vld.idx.msk [tilespmem:v7+s29+$0x0], $0xffff  }
0x272: {  	v6 =	vor.u32 $0x1E, v4  }
0x273: {  	v3 =	vadd.s32 $0xF80, v3;
	_ =	sdelay $0x1  }
.Ltmp1:
0x274: {  	(pc) =	sbr.rel @p0 .LBB2_4-.Ltmp1, $4  }
0x275: {  	_ = 	snop  }
0x276: {  	[tilespmem:v6+s31+$0x0] =	vst.idx.msk vm8, v5  }
0x277: {  	v3 =	vld.idx.msk [tilespmem:v3+s29+$0x0], $0xffff  }
0x278: {  	v4 =	vor.u32 $0x1F, v4  }
0x279: {  	_ =	sdelay $0x4  }
0x27a: {  	s8 =	simm.s32 $0x0;
	s0 =	rddreg [dreg:$0x6];
	s3 =	simm.s32 $0xA;
	[tilespmem:v4+s31+$0x0] =	vst.idx.msk vm8, v3  }
0x27b: {  	[hbm4b:s0+s8] =	stream.linear.scatter [tilespmem:s31], [sflag:$0xA], $0x10000, $0x38;
	[tilespmem:$0x19200] =	vst v63  }
0x27c: {  	_ =	swait.ge [sflag:s3], $0x10000  }
0x27d: {  	s1 =	rddreg [dreg:$0x8]  }
0x27e: {  	s30 =	rddreg [dreg:$0x7];
	s1 =	sadd.s32 $0x1, s1  }
0x27f: {  	p0 =	sne.s32 s1, s30  }
.Ltmp2:
0x280: {  	_ = 	snop;
	(pc) =	sbr.rel @p0 .LBB2_1-.Ltmp2, $3  }
0x281: {  	_ =	sdelay $0x1  }
0x282: {  	[sflag:s3] =	ssyncset.done $0x0  }
0x283: {  	[sflag:s3] =	ssyncadd.s32 $0xFFFF0000  }
0x284: {  	_ =	sfence.sel $0x180000  }
0x285: {  	[bflag:$0x0] =	sbarrier.arrive $0xFFFF  }
0x286: {  	_ =	strace $0x90000047  }
0x287: {  	s0 =	stileid.u32;
	[bflag:$0x2] =	sbarrier.arrive $0xFFFF  }
0x288: {  	p0 =	sne.s32 s0, $0x0;
	s0 =	rddreg [dreg:$0x3]  }
0x289: {  	s0 =	sadd.s32 @!p0 $0x100000, s0  }
0x28a: {  	[sflag:s0] =	ssyncadd.tile.s32 @!p0 $0x1;
	_ =	shalt  }
.Lfunc_end2:
_tile_overlayer_lowered:
.L_overlay_start_2:
0x28b: {  	(tag) =	ssettag $0x2  }
0x28c: {  	s0 =	rddreg [dreg:$0x0];
	s2 =	stileid.u32  }
0x28d: {  	s1 =	rddreg [dreg:$0x1];
	p0 =	sne.s32 s2, $0x0  }
0x28e: {  	s3 =	rddreg [dreg:$0x2];
	[bflag:$0x3] =	sbarrier.arrive $0xFFFF;
	s2 =	simm.s32 @!p0 $0x1C0A  }
0x28f: {  	[timem:s3], [sflag:s2] =	dma.local @!p0 [hbm:s0], s1  }
0x290: {  	s0 =	simm.s32 @!p0 $0xA  }
0x291: {  	_ =	swait.ge @!p0 [sflag:s0], s1  }
0x292: {  	s1 =	ssub.s32 @!p0 $0x0, s1;
	[sflag:s0] =	ssyncset.done @!p0 $0x0  }
0x293: {  	[sflag:s0] =	ssyncadd.s32 @!p0 s1  }
0x294: {  	[bflag:$0x3] =	sbarrier.arrive $0xFFFF  }
0x295: {  	_ =	shalt  }

</sc_bundles>
